<compile_context>
chip_gen: v7x
topology: tpu7x:2x2x1
jax: 0.10.2.dev20260603
libtpu: 0.0.44.dev20260713+nightly
codegen_flags: <defaults>
</compile_context>

<pallas_src>
import functools

import jax
import jax.numpy as jnp
from jax import lax
from jax.experimental import pallas as pl
from jax.experimental.pallas import tpu as pltpu
from jax.experimental.pallas import tpu_sc as plsc

BATCH = 16384
FEAT = 128
NCLS = 1000
NCLS_P = 1024
MOM = 0.99

NC = 2
NS = 16
NW = NC * NS
RPW = BATCH // NW
CH = 128
NCHUNK = RPW // CH
CROWS = NCLS_P // NS

P2_BLK = 2048
P2_STEPS = BATCH // P2_BLK


def _rsqrt_newton(s2):
    s2 = jnp.maximum(s2, 1e-24)
    m = lax.bitcast_convert_type(s2, jnp.int32)
    y = lax.bitcast_convert_type(
        jnp.int32(0x5F3759DF) - lax.shift_right_logical(m, 1), jnp.float32)
    for _ in range(2):
        y = y * (1.5 - 0.5 * s2 * y * y)
    return y


def _sc_segsum_body(feat_hbm, lab_hbm, zsum_hbm, zcnt_hbm, ones_hbm,
                    sums_out, cnt_out,
                    fchunk, nchunk, lchunk, ones_v, acc_s, cnt_s):
    cid = lax.axis_index("c")
    sid = lax.axis_index("s")
    base = (sid * NC + cid) * RPW

    pltpu.sync_copy(zsum_hbm.at[pl.ds(sid * CROWS, CROWS)],
                    acc_s.at[pl.ds(sid * CROWS, CROWS)])
    pltpu.sync_copy(zcnt_hbm.at[pl.ds(sid * CROWS, CROWS)],
                    cnt_s.at[pl.ds(sid * CROWS, CROWS)])
    pltpu.sync_copy(ones_hbm, ones_v)
    plsc.subcore_barrier()

    for t in range(NCHUNK):
        off = base + t * CH
        pltpu.sync_copy(feat_hbm.at[pl.ds(off, CH)], fchunk)
        pltpu.sync_copy(lab_hbm.at[pl.ds(off, CH)], lchunk)

        def row_body(r, carry):
            acc = jnp.zeros((16,), jnp.float32)
            for k in range(FEAT // 16):
                v = fchunk[r, pl.ds(k * 16, 16)]
                acc = acc + v * v
            inv = _rsqrt_newton(jnp.full((16,), jnp.sum(acc), jnp.float32))
            for k in range(FEAT // 16):
                nchunk[r, pl.ds(k * 16, 16)] = fchunk[r, pl.ds(k * 16, 16)] * inv
            return carry

        lax.fori_loop(0, CH, row_body, 0)
        pltpu.sync_copy(nchunk, acc_s.at[lchunk], add=True)
        pltpu.sync_copy(ones_v, cnt_s.at[lchunk], add=True)

    plsc.subcore_barrier()
    pltpu.sync_copy(acc_s.at[pl.ds(sid * CROWS, CROWS)],
                    sums_out.at[cid, pl.ds(sid * CROWS, CROWS)])
    pltpu.sync_copy(cnt_s.at[pl.ds(sid * CROWS, CROWS)],
                    cnt_out.at[cid, pl.ds(sid * CROWS, CROWS)])


@functools.lru_cache(maxsize=1)
def _sc_segsum():
    return pl.kernel(
        _sc_segsum_body,
        out_type=(
            jax.ShapeDtypeStruct((NC, NCLS_P, FEAT), jnp.float32),
            jax.ShapeDtypeStruct((NC, NCLS_P, 16), jnp.float32),
        ),
        mesh=plsc.VectorSubcoreMesh(core_axis_name="c", subcore_axis_name="s"),
        compiler_params=pltpu.CompilerParams(needs_layout_passes=False),
        scratch_types=[
            pltpu.VMEM((CH, FEAT), jnp.float32),
            pltpu.VMEM((CH, FEAT), jnp.float32),
            pltpu.VMEM((CH,), jnp.int32),
            pltpu.VMEM((CH, 16), jnp.float32),
            pltpu.VMEM_SHARED((NCLS_P, FEAT), jnp.float32),
            pltpu.VMEM_SHARED((NCLS_P, 16), jnp.float32),
        ],
    )


def _norm_rows(x):
    s2 = jnp.sum(x * x, axis=1, keepdims=True)
    return x * lax.rsqrt(jnp.maximum(s2, 1e-24))


def _tc_body(f_ref, protos_ref, sums_ref, cnt_ref, out_ref, pbf_ref):
    i = pl.program_id(0)

    @pl.when(i == 0)
    def _make_protos():
        sums = sums_ref[0, :NCLS, :] + sums_ref[1, :NCLS, :]
        counts = cnt_ref[0, :NCLS, :1] + cnt_ref[1, :NCLS, :1]
        p0 = _norm_rows(protos_ref[...])
        sn = _norm_rows(sums)
        bl = _norm_rows(MOM * p0 + (1.0 - MOM) * sn)
        p = jnp.where(counts > 0.0, bl, p0)
        pbf_ref[...] = p.astype(jnp.bfloat16)

    fn = _norm_rows(f_ref[...]).astype(jnp.bfloat16)
    s = lax.dot_general(
        fn, pbf_ref[...], (((1,), (1,)), ((), ())),
        preferred_element_type=jnp.float32)
    out_ref[...] = -jnp.sqrt(jnp.maximum(2.0 - 2.0 * s, 0.0))


def kernel(features, labels, prototypes):
    zsum = jnp.zeros((NCLS_P, FEAT), jnp.float32)
    zcnt = jnp.zeros((NCLS_P, 16), jnp.float32)
    ones = jnp.ones((CH, 16), jnp.float32)
    sums2, cnt2 = _sc_segsum()(features, labels, zsum, zcnt, ones)

    out = pl.pallas_call(
        _tc_body,
        grid=(P2_STEPS,),
        in_specs=[
            pl.BlockSpec((P2_BLK, FEAT), lambda i: (i, 0)),
            pl.BlockSpec((NCLS, FEAT), lambda i: (0, 0)),
            pl.BlockSpec((NC, NCLS_P, FEAT), lambda i: (0, 0, 0)),
            pl.BlockSpec((NC, NCLS_P, 16), lambda i: (0, 0, 0)),
        ],
        out_specs=pl.BlockSpec((P2_BLK, NCLS), lambda i: (i, 0)),
        out_shape=jax.ShapeDtypeStruct((BATCH, NCLS), jnp.float32),
        scratch_shapes=[pltpu.VMEM((NCLS, FEAT), jnp.bfloat16)],
    )(features, prototypes, sums2, cnt2)
    return out

# --- scband reference (transcript-rebuilt; emitter-appended) ---
"""Pipeline reference for scband-prototype-memory-11897059410793 (READ-ONLY COPY).

The authoritative reference and input builder live on the scoring server;
editing this copy changes nothing except your own understanding.
"""

import jax, jax.numpy as jnp
import numpy as np

NUM_CLASSES = 1000
FEAT_DIM = 128
BATCH = 16384
MOMENTUM = 0.99
TEMPERATURE = 1.0


def _l2norm(x, eps=1e-12):
    # matches torch F.normalize(p=2, dim=-1): x / max(||x||, eps)
    n = jnp.linalg.norm(x, ord=2, axis=-1, keepdims=True)
    return x / jnp.maximum(n, eps)


def setup_inputs(seed: int = 0) -> dict:
    key = jax.random.key(seed)
    k1, k2, k3 = jax.random.split(key, 3)
    features = jax.random.normal(k1, (BATCH, FEAT_DIM), dtype=jnp.float32)
    labels = jax.random.randint(k2, (BATCH,), 0, NUM_CLASSES, dtype=jnp.int32)
    prototypes = jax.random.normal(k3, (NUM_CLASSES, FEAT_DIM), dtype=jnp.float32)
    return {"features": features, "labels": labels, "prototypes": prototypes}


def reference(features, labels, prototypes):
    # initialize(prototypes): normalize and store
    protos0 = _l2norm(prototypes)

    # update(features, labels, epoch=None): momentum = 0.99, all classes initialized
    feats_n = _l2norm(features)
    ones = jnp.ones((features.shape[0],), dtype=jnp.float32)
    counts = jax.ops.segment_sum(ones, labels, num_segments=NUM_CLASSES)
    sums = jax.ops.segment_sum(feats_n, labels, num_segments=NUM_CLASSES)
    class_mean = sums / jnp.maximum(counts, 1.0)[:, None]
    class_mean_n = _l2norm(class_mean)
    blended = _l2norm(MOMENTUM * protos0 + (1.0 - MOMENTUM) * class_mean_n)
    # classes with zero samples keep their old prototype
    new_protos = jnp.where((counts > 0)[:, None], blended, protos0)

    # compute_logits(features) using updated prototypes
    f = _l2norm(features)
    p = _l2norm(new_protos)
    sq = (jnp.sum(f * f, axis=1)[:, None]
          + jnp.sum(p * p, axis=1)[None, :]
          - 2.0 * (f @ p.T))
    dist = jnp.sqrt(jnp.maximum(sq, 0.0))
    logits = -dist / TEMPERATURE
    return logits

if __name__ == "__main__":
    import jax
    _d = setup_inputs()
    print(jax.jit(kernel)(*tuple(_d.values())))

</pallas_src>

<mosaic_0001>
#map = affine_map<(d0, d1) -> (0, 0)>
#map1 = affine_map<(d0, d1) -> (0)>
#map2 = affine_map<(d0, d1) -> (0, 0, 0)>
module attributes {stable_mosaic.version = 14 : i64} {
  func.func @_sc_segsum_body(%arg0: i32, %arg1: i32, %arg2: memref<16384x128xf32, #tpu.memory_space<hbm>>, %arg3: memref<16384xi32, #tpu.memory_space<hbm>>, %arg4: memref<1024x128xf32, #tpu.memory_space<hbm>>, %arg5: memref<1024x16xf32, #tpu.memory_space<hbm>>, %arg6: memref<128x16xf32, #tpu.memory_space<hbm>>, %arg7: memref<2x1024x128xf32, #tpu.memory_space<hbm>>, %arg8: memref<2x1024x16xf32, #tpu.memory_space<hbm>>, %arg9: memref<128x128xf32, #tpu.memory_space<vmem>>, %arg10: memref<128x128xf32, #tpu.memory_space<vmem>>, %arg11: memref<128xi32, #tpu.memory_space<vmem>>, %arg12: memref<128x16xf32, #tpu.memory_space<vmem>>, %arg13: memref<1024x128xf32, #tpu.memory_space<vmem_shared>>, %arg14: memref<1024x16xf32, #tpu.memory_space<vmem_shared>>) attributes {dimension_semantics = [#tpu.dimension_semantics<core_parallel>, #tpu.dimension_semantics<subcore_parallel>], iteration_bounds = array<i64: 2, 16>, scalar_prefetch = 0 : i64, scratch_operands = 6 : i64, tpu.core_type = #tpu.core_type<sc_vector_subcore>, window_params = [{transform_indices = #map}, {transform_indices = #map1}, {transform_indices = #map}, {transform_indices = #map}, {transform_indices = #map}, {transform_indices = #map2}, {transform_indices = #map2}]} {
    %mul3A = arith.constant 2 : i32
    %mul3A_0 = arith.muli %arg1, %mul3A : i32
    %add3A = arith.addi %mul3A_0, %arg0 : i32
    %mul3A_1 = arith.constant 512 : i32
    %mul3A_2 = arith.muli %add3A, %mul3A_1 : i32
    %mul3A_3 = arith.constant 64 : i32
    %mul3A_4 = arith.muli %arg1, %mul3A_3 : i32
    %mul3A_5 = arith.constant 64 : i32
    %mul3A_6 = arith.muli %arg1, %mul3A_5 : i32
    "tpu.region"() ({
      %run_scoped3A = tpu.sem_alloc : memref<!tpu.dma_semaphore, #tpu.memory_space<semaphore_mem>>
      %dma_start3A = arith.constant 0 : i32
      %dma_start3A_51 = tpu.memref_slice %arg13[%mul3A_6, %dma_start3A] : memref<1024x128xf32, #tpu.memory_space<vmem_shared>> -> memref<64x128xf32, #tpu.memory_space<vmem_shared>>
      %dma_start3A_52 = arith.constant 0 : i32
      %dma_start3A_53 = tpu.memref_slice %arg4[%mul3A_4, %dma_start3A_52] : memref<1024x128xf32, #tpu.memory_space<hbm>> -> memref<64x128xf32, #tpu.memory_space<hbm>>
      tpu.enqueue_dma source(%dma_start3A_53 : memref<64x128xf32, #tpu.memory_space<hbm>>) target(%dma_start3A_51 : memref<64x128xf32, #tpu.memory_space<vmem_shared>>) target_semaphore(%run_scoped3A : memref<!tpu.dma_semaphore, #tpu.memory_space<semaphore_mem>>)
      %dma_wait3A = arith.constant 0 : i32
      %dma_wait3A_54 = tpu.memref_slice %arg13[%mul3A_6, %dma_wait3A] : memref<1024x128xf32, #tpu.memory_space<vmem_shared>> -> memref<64x128xf32, #tpu.memory_space<vmem_shared>>
      %dma_wait3A_55 = arith.constant 0 : i32
      %dma_wait3A_56 = tpu.memref_slice %arg4[%mul3A_4, %dma_wait3A_55] : memref<1024x128xf32, #tpu.memory_space<hbm>> -> memref<64x128xf32, #tpu.memory_space<hbm>>
      tpu.wait_dma2 semaphore(%run_scoped3A : memref<!tpu.dma_semaphore, #tpu.memory_space<semaphore_mem>>) src(%dma_wait3A_56 : memref<64x128xf32, #tpu.memory_space<hbm>>) dst(%dma_wait3A_54 : memref<64x128xf32, #tpu.memory_space<vmem_shared>>)
      tpu.yield
    }) : () -> ()
    %mul3A_7 = arith.constant 64 : i32
    %mul3A_8 = arith.muli %arg1, %mul3A_7 : i32
    %mul3A_9 = arith.constant 64 : i32
    %mul3A_10 = arith.muli %arg1, %mul3A_9 : i32
    "tpu.region"() ({
      %run_scoped3A = tpu.sem_alloc : memref<!tpu.dma_semaphore, #tpu.memory_space<semaphore_mem>>
      %dma_start3A = arith.constant 0 : i32
      %dma_start3A_51 = tpu.memref_slice %arg14[%mul3A_10, %dma_start3A] : memref<1024x16xf32, #tpu.memory_space<vmem_shared>> -> memref<64x16xf32, #tpu.memory_space<vmem_shared>>
      %dma_start3A_52 = arith.constant 0 : i32
      %dma_start3A_53 = tpu.memref_slice %arg5[%mul3A_8, %dma_start3A_52] : memref<1024x16xf32, #tpu.memory_space<hbm>> -> memref<64x16xf32, #tpu.memory_space<hbm>>
      tpu.enqueue_dma source(%dma_start3A_53 : memref<64x16xf32, #tpu.memory_space<hbm>>) target(%dma_start3A_51 : memref<64x16xf32, #tpu.memory_space<vmem_shared>>) target_semaphore(%run_scoped3A : memref<!tpu.dma_semaphore, #tpu.memory_space<semaphore_mem>>)
      %dma_wait3A = arith.constant 0 : i32
      %dma_wait3A_54 = tpu.memref_slice %arg14[%mul3A_10, %dma_wait3A] : memref<1024x16xf32, #tpu.memory_space<vmem_shared>> -> memref<64x16xf32, #tpu.memory_space<vmem_shared>>
      %dma_wait3A_55 = arith.constant 0 : i32
      %dma_wait3A_56 = tpu.memref_slice %arg5[%mul3A_8, %dma_wait3A_55] : memref<1024x16xf32, #tpu.memory_space<hbm>> -> memref<64x16xf32, #tpu.memory_space<hbm>>
      tpu.wait_dma2 semaphore(%run_scoped3A : memref<!tpu.dma_semaphore, #tpu.memory_space<semaphore_mem>>) src(%dma_wait3A_56 : memref<64x16xf32, #tpu.memory_space<hbm>>) dst(%dma_wait3A_54 : memref<64x16xf32, #tpu.memory_space<vmem_shared>>)
      tpu.yield
    }) : () -> ()
    "tpu.region"() ({
      %run_scoped3A = tpu.sem_alloc : memref<!tpu.dma_semaphore, #tpu.memory_space<semaphore_mem>>
      tpu.enqueue_dma source(%arg6 : memref<128x16xf32, #tpu.memory_space<hbm>>) target(%arg12 : memref<128x16xf32, #tpu.memory_space<vmem>>) target_semaphore(%run_scoped3A : memref<!tpu.dma_semaphore, #tpu.memory_space<semaphore_mem>>)
      tpu.wait_dma2 semaphore(%run_scoped3A : memref<!tpu.dma_semaphore, #tpu.memory_space<semaphore_mem>>) src(%arg6 : memref<128x16xf32, #tpu.memory_space<hbm>>) dst(%arg12 : memref<128x16xf32, #tpu.memory_space<vmem>>)
      tpu.yield
    }) : () -> ()
    %barrier3A = arith.constant 0 : index
    tpu.barrier barrier_id(%barrier3A)
    %add3A_11 = arith.constant 0 : i32
    %add3A_12 = arith.addi %mul3A_2, %add3A_11 : i32
    "tpu.region"() ({
      %run_scoped3A = tpu.sem_alloc : memref<!tpu.dma_semaphore, #tpu.memory_space<semaphore_mem>>
      %dma_start3A = arith.constant 0 : i32
      %dma_start3A_51 = tpu.memref_slice %arg2[%add3A_12, %dma_start3A] : memref<16384x128xf32, #tpu.memory_space<hbm>> -> memref<128x128xf32, #tpu.memory_space<hbm>>
      %dma_start3A_52 = arith.constant 0 : i32
      %dma_start3A_53 = tpu.memref_slice %arg2[%add3A_12, %dma_start3A_52] : memref<16384x128xf32, #tpu.memory_space<hbm>> -> memref<128x128xf32, #tpu.memory_space<hbm>>
      tpu.enqueue_dma source(%dma_start3A_53 : memref<128x128xf32, #tpu.memory_space<hbm>>) target(%arg9 : memref<128x128xf32, #tpu.memory_space<vmem>>) target_semaphore(%run_scoped3A : memref<!tpu.dma_semaphore, #tpu.memory_space<semaphore_mem>>)
      %dma_wait3A = arith.constant 0 : i32
      %dma_wait3A_54 = tpu.memref_slice %arg2[%add3A_12, %dma_wait3A] : memref<16384x128xf32, #tpu.memory_space<hbm>> -> memref<128x128xf32, #tpu.memory_space<hbm>>
      %dma_wait3A_55 = arith.constant 0 : i32
      %dma_wait3A_56 = tpu.memref_slice %arg2[%add3A_12, %dma_wait3A_55] : memref<16384x128xf32, #tpu.memory_space<hbm>> -> memref<128x128xf32, #tpu.memory_space<hbm>>
      tpu.wait_dma2 semaphore(%run_scoped3A : memref<!tpu.dma_semaphore, #tpu.memory_space<semaphore_mem>>) src(%dma_wait3A_56 : memref<128x128xf32, #tpu.memory_space<hbm>>) dst(%arg9 : memref<128x128xf32, #tpu.memory_space<vmem>>)
      tpu.yield
    }) : () -> ()
    "tpu.region"() ({
      %run_scoped3A = tpu.sem_alloc : memref<!tpu.dma_semaphore, #tpu.memory_space<semaphore_mem>>
      %dma_start3A = tpu.memref_slice %arg3[%add3A_12] : memref<16384xi32, #tpu.memory_space<hbm>> -> memref<128xi32, #tpu.memory_space<hbm>>
      %dma_start3A_51 = tpu.memref_slice %arg3[%add3A_12] : memref<16384xi32, #tpu.memory_space<hbm>> -> memref<128xi32, #tpu.memory_space<hbm>>
      tpu.enqueue_dma source(%dma_start3A_51 : memref<128xi32, #tpu.memory_space<hbm>>) target(%arg11 : memref<128xi32, #tpu.memory_space<vmem>>) target_semaphore(%run_scoped3A : memref<!tpu.dma_semaphore, #tpu.memory_space<semaphore_mem>>)
      %dma_wait3A = tpu.memref_slice %arg3[%add3A_12] : memref<16384xi32, #tpu.memory_space<hbm>> -> memref<128xi32, #tpu.memory_space<hbm>>
      %dma_wait3A_52 = tpu.memref_slice %arg3[%add3A_12] : memref<16384xi32, #tpu.memory_space<hbm>> -> memref<128xi32, #tpu.memory_space<hbm>>
      tpu.wait_dma2 semaphore(%run_scoped3A : memref<!tpu.dma_semaphore, #tpu.memory_space<semaphore_mem>>) src(%dma_wait3A_52 : memref<128xi32, #tpu.memory_space<hbm>>) dst(%arg11 : memref<128xi32, #tpu.memory_space<vmem>>)
      tpu.yield
    }) : () -> ()
    %scan3A = arith.constant 0 : i32
    %scan3A_13 = arith.constant 0 : i32
    %scan3A_14 = arith.constant 128 : i32
    %scan3A_15 = arith.addi %scan3A_13, %scan3A_14 : i32
    %scan3A_16 = arith.constant 1 : i32
    scf.for %scan3A_51 = %scan3A_13 to %scan3A_15 step %scan3A_16  : i32 {
      %broadcast_in_dim3A = arith.constant 0.000000e+00 : f32
      %broadcast_in_dim3A_52 = vector.broadcast %broadcast_in_dim3A : f32 to vector<16xf32>
      %get3A = arith.index_cast %scan3A_51 : i32 to index
      %get3A_53 = arith.constant 0 : index
      %get3A_54 = tpu.vector_load %arg9[%get3A, %get3A_53] {strides = array<i32>} : memref<128x128xf32, #tpu.memory_space<vmem>>, vector<16xf32>,
      %mul3A_55 = arith.mulf %get3A_54, %get3A_54 : vector<16xf32>
      %add3A_56 = arith.addf %broadcast_in_dim3A_52, %mul3A_55 : vector<16xf32>
      %get3A_57 = arith.index_cast %scan3A_51 : i32 to index
      %get3A_58 = arith.constant 16 : index
      %get3A_59 = tpu.vector_load %arg9[%get3A_57, %get3A_58] {strides = array<i32>} : memref<128x128xf32, #tpu.memory_space<vmem>>, vector<16xf32>,
      %mul3A_60 = arith.mulf %get3A_59, %get3A_59 : vector<16xf32>
      %add3A_61 = arith.addf %add3A_56, %mul3A_60 : vector<16xf32>
      %get3A_62 = arith.index_cast %scan3A_51 : i32 to index
      %get3A_63 = arith.constant 32 : index
      %get3A_64 = tpu.vector_load %arg9[%get3A_62, %get3A_63] {strides = array<i32>} : memref<128x128xf32, #tpu.memory_space<vmem>>, vector<16xf32>,
      %mul3A_65 = arith.mulf %get3A_64, %get3A_64 : vector<16xf32>
      %add3A_66 = arith.addf %add3A_61, %mul3A_65 : vector<16xf32>
      %get3A_67 = arith.index_cast %scan3A_51 : i32 to index
      %get3A_68 = arith.constant 48 : index
      %get3A_69 = tpu.vector_load %arg9[%get3A_67, %get3A_68] {strides = array<i32>} : memref<128x128xf32, #tpu.memory_space<vmem>>, vector<16xf32>,
      %mul3A_70 = arith.mulf %get3A_69, %get3A_69 : vector<16xf32>
      %add3A_71 = arith.addf %add3A_66, %mul3A_70 : vector<16xf32>
      %get3A_72 = arith.index_cast %scan3A_51 : i32 to index
      %get3A_73 = arith.constant 64 : index
      %get3A_74 = tpu.vector_load %arg9[%get3A_72, %get3A_73] {strides = array<i32>} : memref<128x128xf32, #tpu.memory_space<vmem>>, vector<16xf32>,
      %mul3A_75 = arith.mulf %get3A_74, %get3A_74 : vector<16xf32>
      %add3A_76 = arith.addf %add3A_71, %mul3A_75 : vector<16xf32>
      %get3A_77 = arith.index_cast %scan3A_51 : i32 to index
      %get3A_78 = arith.constant 80 : index
      %get3A_79 = tpu.vector_load %arg9[%get3A_77, %get3A_78] {strides = array<i32>} : memref<128x128xf32, #tpu.memory_space<vmem>>, vector<16xf32>,
      %mul3A_80 = arith.mulf %get3A_79, %get3A_79 : vector<16xf32>
      %add3A_81 = arith.addf %add3A_76, %mul3A_80 : vector<16xf32>
      %get3A_82 = arith.index_cast %scan3A_51 : i32 to index
      %get3A_83 = arith.constant 96 : index
      %get3A_84 = tpu.vector_load %arg9[%get3A_82, %get3A_83] {strides = array<i32>} : memref<128x128xf32, #tpu.memory_space<vmem>>, vector<16xf32>,
      %mul3A_85 = arith.mulf %get3A_84, %get3A_84 : vector<16xf32>
      %add3A_86 = arith.addf %add3A_81, %mul3A_85 : vector<16xf32>
      %get3A_87 = arith.index_cast %scan3A_51 : i32 to index
      %get3A_88 = arith.constant 112 : index
      %get3A_89 = tpu.vector_load %arg9[%get3A_87, %get3A_88] {strides = array<i32>} : memref<128x128xf32, #tpu.memory_space<vmem>>, vector<16xf32>,
      %mul3A_90 = arith.mulf %get3A_89, %get3A_89 : vector<16xf32>
      %add3A_91 = arith.addf %add3A_86, %mul3A_90 : vector<16xf32>
      %reduce_sum3A = arith.constant true
      %reduce_sum3A_92 = vector.broadcast %reduce_sum3A : i1 to vector<16xi1>
      %reduce_sum3A_93 = tpu.scan <sum>, %add3A_91 masked %reduce_sum3A_92 : vector<16xf32>, vector<16xi1> -> vector<16xf32>
      %reduce_sum3A_94 = vector.extract %reduce_sum3A_93[15] : f32 from vector<16xf32>
      %broadcast_in_dim3A_95 = vector.broadcast %reduce_sum3A_94 : f32 to vector<16xf32>
      %max3A = arith.constant 1.000000e-24 : f32
      %max3A_96 = vector.broadcast %max3A : f32 to vector<16xf32>
      %max3A_97 = arith.maximumf %broadcast_in_dim3A_95, %max3A_96 : vector<16xf32>
      %bitcast_convert_type3A = tpu.bitcast %max3A_97 : vector<16xf32> -> vector<16xi32>
      %shift_right_logical3A = arith.constant 1 : i32
      %shift_right_logical3A_98 = vector.broadcast %shift_right_logical3A : i32 to vector<16xi32>
      %shift_right_logical3A_99 = arith.shrui %bitcast_convert_type3A, %shift_right_logical3A_98 : vector<16xi32>
      %sub3A = arith.constant 1597463007 : i32
      %sub3A_100 = vector.broadcast %sub3A : i32 to vector<16xi32>
      %sub3A_101 = arith.subi %sub3A_100, %shift_right_logical3A_99 : vector<16xi32>
      %bitcast_convert_type3A_102 = tpu.bitcast %sub3A_101 : vector<16xi32> -> vector<16xf32>
      %mul3A_103 = arith.constant 5.000000e-01 : f32
      %mul3A_104 = vector.broadcast %mul3A_103 : f32 to vector<16xf32>
      %mul3A_105 = arith.mulf %mul3A_104, %max3A_97 : vector<16xf32>
      %mul3A_106 = arith.mulf %mul3A_105, %bitcast_convert_type3A_102 : vector<16xf32>
      %mul3A_107 = arith.mulf %mul3A_106, %bitcast_convert_type3A_102 : vector<16xf32>
      %sub3A_108 = arith.constant 1.500000e+00 : f32
      %sub3A_109 = vector.broadcast %sub3A_108 : f32 to vector<16xf32>
      %sub3A_110 = arith.subf %sub3A_109, %mul3A_107 : vector<16xf32>
      %mul3A_111 = arith.mulf %bitcast_convert_type3A_102, %sub3A_110 : vector<16xf32>
      %mul3A_112 = arith.constant 5.000000e-01 : f32
      %mul3A_113 = vector.broadcast %mul3A_112 : f32 to vector<16xf32>
      %mul3A_114 = arith.mulf %mul3A_113, %max3A_97 : vector<16xf32>
      %mul3A_115 = arith.mulf %mul3A_114, %mul3A_111 : vector<16xf32>
      %mul3A_116 = arith.mulf %mul3A_115, %mul3A_111 : vector<16xf32>
      %sub3A_117 = arith.constant 1.500000e+00 : f32
      %sub3A_118 = vector.broadcast %sub3A_117 : f32 to vector<16xf32>
      %sub3A_119 = arith.subf %sub3A_118, %mul3A_116 : vector<16xf32>
      %mul3A_120 = arith.mulf %mul3A_111, %sub3A_119 : vector<16xf32>
      %get3A_121 = arith.index_cast %scan3A_51 : i32 to index
      %get3A_122 = arith.constant 0 : index
      %get3A_123 = tpu.vector_load %arg9[%get3A_121, %get3A_122] {strides = array<i32>} : memref<128x128xf32, #tpu.memory_space<vmem>>, vector<16xf32>,
      %mul3A_124 = arith.mulf %get3A_123, %mul3A_120 : vector<16xf32>
      %swap3A = arith.index_cast %scan3A_51 : i32 to index
      %swap3A_125 = arith.constant 0 : index
      %swap3A_126 = tpu.vector_load %arg10[%swap3A, %swap3A_125] {strides = array<i32>} : memref<128x128xf32, #tpu.memory_space<vmem>>, vector<16xf32>,
      tpu.vector_store %arg10[%swap3A, %swap3A_125], %mul3A_124 {strides = array<i32>} : memref<128x128xf32, #tpu.memory_space<vmem>>, vector<16xf32>,
      %get3A_127 = arith.index_cast %scan3A_51 : i32 to index
      %get3A_128 = arith.constant 16 : index
      %get3A_129 = tpu.vector_load %arg9[%get3A_127, %get3A_128] {strides = array<i32>} : memref<128x128xf32, #tpu.memory_space<vmem>>, vector<16xf32>,
      %mul3A_130 = arith.mulf %get3A_129, %mul3A_120 : vector<16xf32>
      %swap3A_131 = arith.index_cast %scan3A_51 : i32 to index
      %swap3A_132 = arith.constant 16 : index
      %swap3A_133 = tpu.vector_load %arg10[%swap3A_131, %swap3A_132] {strides = array<i32>} : memref<128x128xf32, #tpu.memory_space<vmem>>, vector<16xf32>,
      tpu.vector_store %arg10[%swap3A_131, %swap3A_132], %mul3A_130 {strides = array<i32>} : memref<128x128xf32, #tpu.memory_space<vmem>>, vector<16xf32>,
      %get3A_134 = arith.index_cast %scan3A_51 : i32 to index
      %get3A_135 = arith.constant 32 : index
      %get3A_136 = tpu.vector_load %arg9[%get3A_134, %get3A_135] {strides = array<i32>} : memref<128x128xf32, #tpu.memory_space<vmem>>, vector<16xf32>,
      %mul3A_137 = arith.mulf %get3A_136, %mul3A_120 : vector<16xf32>
      %swap3A_138 = arith.index_cast %scan3A_51 : i32 to index
      %swap3A_139 = arith.constant 32 : index
      %swap3A_140 = tpu.vector_load %arg10[%swap3A_138, %swap3A_139] {strides = array<i32>} : memref<128x128xf32, #tpu.memory_space<vmem>>, vector<16xf32>,
      tpu.vector_store %arg10[%swap3A_138, %swap3A_139], %mul3A_137 {strides = array<i32>} : memref<128x128xf32, #tpu.memory_space<vmem>>, vector<16xf32>,
      %get3A_141 = arith.index_cast %scan3A_51 : i32 to index
      %get3A_142 = arith.constant 48 : index
      %get3A_143 = tpu.vector_load %arg9[%get3A_141, %get3A_142] {strides = array<i32>} : memref<128x128xf32, #tpu.memory_space<vmem>>, vector<16xf32>,
      %mul3A_144 = arith.mulf %get3A_143, %mul3A_120 : vector<16xf32>
      %swap3A_145 = arith.index_cast %scan3A_51 : i32 to index
      %swap3A_146 = arith.constant 48 : index
      %swap3A_147 = tpu.vector_load %arg10[%swap3A_145, %swap3A_146] {strides = array<i32>} : memref<128x128xf32, #tpu.memory_space<vmem>>, vector<16xf32>,
      tpu.vector_store %arg10[%swap3A_145, %swap3A_146], %mul3A_144 {strides = array<i32>} : memref<128x128xf32, #tpu.memory_space<vmem>>, vector<16xf32>,
      %get3A_148 = arith.index_cast %scan3A_51 : i32 to index
      %get3A_149 = arith.constant 64 : index
      %get3A_150 = tpu.vector_load %arg9[%get3A_148, %get3A_149] {strides = array<i32>} : memref<128x128xf32, #tpu.memory_space<vmem>>, vector<16xf32>,
      %mul3A_151 = arith.mulf %get3A_150, %mul3A_120 : vector<16xf32>
      %swap3A_152 = arith.index_cast %scan3A_51 : i32 to index
      %swap3A_153 = arith.constant 64 : index
      %swap3A_154 = tpu.vector_load %arg10[%swap3A_152, %swap3A_153] {strides = array<i32>} : memref<128x128xf32, #tpu.memory_space<vmem>>, vector<16xf32>,
      tpu.vector_store %arg10[%swap3A_152, %swap3A_153], %mul3A_151 {strides = array<i32>} : memref<128x128xf32, #tpu.memory_space<vmem>>, vector<16xf32>,
      %get3A_155 = arith.index_cast %scan3A_51 : i32 to index
      %get3A_156 = arith.constant 80 : index
      %get3A_157 = tpu.vector_load %arg9[%get3A_155, %get3A_156] {strides = array<i32>} : memref<128x128xf32, #tpu.memory_space<vmem>>, vector<16xf32>,
      %mul3A_158 = arith.mulf %get3A_157, %mul3A_120 : vector<16xf32>
      %swap3A_159 = arith.index_cast %scan3A_51 : i32 to index
      %swap3A_160 = arith.constant 80 : index
      %swap3A_161 = tpu.vector_load %arg10[%swap3A_159, %swap3A_160] {strides = array<i32>} : memref<128x128xf32, #tpu.memory_space<vmem>>, vector<16xf32>,
      tpu.vector_store %arg10[%swap3A_159, %swap3A_160], %mul3A_158 {strides = array<i32>} : memref<128x128xf32, #tpu.memory_space<vmem>>, vector<16xf32>,
      %get3A_162 = arith.index_cast %scan3A_51 : i32 to index
      %get3A_163 = arith.constant 96 : index
      %get3A_164 = tpu.vector_load %arg9[%get3A_162, %get3A_163] {strides = array<i32>} : memref<128x128xf32, #tpu.memory_space<vmem>>, vector<16xf32>,
      %mul3A_165 = arith.mulf %get3A_164, %mul3A_120 : vector<16xf32>
      %swap3A_166 = arith.index_cast %scan3A_51 : i32 to index
      %swap3A_167 = arith.constant 96 : index
      %swap3A_168 = tpu.vector_load %arg10[%swap3A_166, %swap3A_167] {strides = array<i32>} : memref<128x128xf32, #tpu.memory_space<vmem>>, vector<16xf32>,
      tpu.vector_store %arg10[%swap3A_166, %swap3A_167], %mul3A_165 {strides = array<i32>} : memref<128x128xf32, #tpu.memory_space<vmem>>, vector<16xf32>,
      %get3A_169 = arith.index_cast %scan3A_51 : i32 to index
      %get3A_170 = arith.constant 112 : index
      %get3A_171 = tpu.vector_load %arg9[%get3A_169, %get3A_170] {strides = array<i32>} : memref<128x128xf32, #tpu.memory_space<vmem>>, vector<16xf32>,
      %mul3A_172 = arith.mulf %get3A_171, %mul3A_120 : vector<16xf32>
      %swap3A_173 = arith.index_cast %scan3A_51 : i32 to index
      %swap3A_174 = arith.constant 112 : index
      %swap3A_175 = tpu.vector_load %arg10[%swap3A_173, %swap3A_174] {strides = array<i32>} : memref<128x128xf32, #tpu.memory_space<vmem>>, vector<16xf32>,
      tpu.vector_store %arg10[%swap3A_173, %swap3A_174], %mul3A_172 {strides = array<i32>} : memref<128x128xf32, #tpu.memory_space<vmem>>, vector<16xf32>,
    }
    %scan3A_17 = arith.constant 128 : i32
    "tpu.region"() ({
      %run_scoped3A = tpu.sem_alloc : memref<!tpu.dma_semaphore, #tpu.memory_space<semaphore_mem>>
      %dma_start3A = arith.constant 0 : i32
      %dma_start3A_51 = arith.constant 0 : i32
      %dma_start3A_52 = tpu.memref_slice %arg13[%dma_start3A, %dma_start3A_51] : memref<1024x128xf32, #tpu.memory_space<vmem_shared>> -> memref<1024x128xf32, #tpu.memory_space<vmem_shared>>
      tpu.enqueue_indirect_dma source(%arg10 : memref<128x128xf32, #tpu.memory_space<vmem>>) target(%dma_start3A_52 : memref<1024x128xf32, #tpu.memory_space<vmem_shared>>) offsets(%arg11 : memref<128xi32, #tpu.memory_space<vmem>>) semaphore(%run_scoped3A : memref<!tpu.dma_semaphore, #tpu.memory_space<semaphore_mem>>) {add = true}
      %dma_wait3A = arith.constant 0 : i32
      %dma_wait3A_53 = arith.constant 0 : i32
      %dma_wait3A_54 = tpu.memref_slice %arg13[%dma_wait3A, %dma_wait3A_53] : memref<1024x128xf32, #tpu.memory_space<vmem_shared>> -> memref<1024x128xf32, #tpu.memory_space<vmem_shared>>
      tpu.wait_indirect_dma semaphore(%run_scoped3A : memref<!tpu.dma_semaphore, #tpu.memory_space<semaphore_mem>>) src(%arg10 : memref<128x128xf32, #tpu.memory_space<vmem>>) dst(%dma_wait3A_54 : memref<1024x128xf32, #tpu.memory_space<vmem_shared>>)
      tpu.yield
    }) : () -> ()
    "tpu.region"() ({
      %run_scoped3A = tpu.sem_alloc : memref<!tpu.dma_semaphore, #tpu.memory_space<semaphore_mem>>
      %dma_start3A = arith.constant 0 : i32
      %dma_start3A_51 = arith.constant 0 : i32
      %dma_start3A_52 = tpu.memref_slice %arg14[%dma_start3A, %dma_start3A_51] : memref<1024x16xf32, #tpu.memory_space<vmem_shared>> -> memref<1024x16xf32, #tpu.memory_space<vmem_shared>>
      tpu.enqueue_indirect_dma source(%arg12 : memref<128x16xf32, #tpu.memory_space<vmem>>) target(%dma_start3A_52 : memref<1024x16xf32, #tpu.memory_space<vmem_shared>>) offsets(%arg11 : memref<128xi32, #tpu.memory_space<vmem>>) semaphore(%run_scoped3A : memref<!tpu.dma_semaphore, #tpu.memory_space<semaphore_mem>>) {add = true}
      %dma_wait3A = arith.constant 0 : i32
      %dma_wait3A_53 = arith.constant 0 : i32
      %dma_wait3A_54 = tpu.memref_slice %arg14[%dma_wait3A, %dma_wait3A_53] : memref<1024x16xf32, #tpu.memory_space<vmem_shared>> -> memref<1024x16xf32, #tpu.memory_space<vmem_shared>>
      tpu.wait_indirect_dma semaphore(%run_scoped3A : memref<!tpu.dma_semaphore, #tpu.memory_space<semaphore_mem>>) src(%arg12 : memref<128x16xf32, #tpu.memory_space<vmem>>) dst(%dma_wait3A_54 : memref<1024x16xf32, #tpu.memory_space<vmem_shared>>)
      tpu.yield
    }) : () -> ()
    %add3A_18 = arith.constant 128 : i32
    %add3A_19 = arith.addi %mul3A_2, %add3A_18 : i32
    "tpu.region"() ({
      %run_scoped3A = tpu.sem_alloc : memref<!tpu.dma_semaphore, #tpu.memory_space<semaphore_mem>>
      %dma_start3A = arith.constant 0 : i32
      %dma_start3A_51 = tpu.memref_slice %arg2[%add3A_19, %dma_start3A] : memref<16384x128xf32, #tpu.memory_space<hbm>> -> memref<128x128xf32, #tpu.memory_space<hbm>>
      %dma_start3A_52 = arith.constant 0 : i32
      %dma_start3A_53 = tpu.memref_slice %arg2[%add3A_19, %dma_start3A_52] : memref<16384x128xf32, #tpu.memory_space<hbm>> -> memref<128x128xf32, #tpu.memory_space<hbm>>
      tpu.enqueue_dma source(%dma_start3A_53 : memref<128x128xf32, #tpu.memory_space<hbm>>) target(%arg9 : memref<128x128xf32, #tpu.memory_space<vmem>>) target_semaphore(%run_scoped3A : memref<!tpu.dma_semaphore, #tpu.memory_space<semaphore_mem>>)
      %dma_wait3A = arith.constant 0 : i32
      %dma_wait3A_54 = tpu.memref_slice %arg2[%add3A_19, %dma_wait3A] : memref<16384x128xf32, #tpu.memory_space<hbm>> -> memref<128x128xf32, #tpu.memory_space<hbm>>
      %dma_wait3A_55 = arith.constant 0 : i32
      %dma_wait3A_56 = tpu.memref_slice %arg2[%add3A_19, %dma_wait3A_55] : memref<16384x128xf32, #tpu.memory_space<hbm>> -> memref<128x128xf32, #tpu.memory_space<hbm>>
      tpu.wait_dma2 semaphore(%run_scoped3A : memref<!tpu.dma_semaphore, #tpu.memory_space<semaphore_mem>>) src(%dma_wait3A_56 : memref<128x128xf32, #tpu.memory_space<hbm>>) dst(%arg9 : memref<128x128xf32, #tpu.memory_space<vmem>>)
      tpu.yield
    }) : () -> ()
    "tpu.region"() ({
      %run_scoped3A = tpu.sem_alloc : memref<!tpu.dma_semaphore, #tpu.memory_space<semaphore_mem>>
      %dma_start3A = tpu.memref_slice %arg3[%add3A_19] : memref<16384xi32, #tpu.memory_space<hbm>> -> memref<128xi32, #tpu.memory_space<hbm>>
      %dma_start3A_51 = tpu.memref_slice %arg3[%add3A_19] : memref<16384xi32, #tpu.memory_space<hbm>> -> memref<128xi32, #tpu.memory_space<hbm>>
      tpu.enqueue_dma source(%dma_start3A_51 : memref<128xi32, #tpu.memory_space<hbm>>) target(%arg11 : memref<128xi32, #tpu.memory_space<vmem>>) target_semaphore(%run_scoped3A : memref<!tpu.dma_semaphore, #tpu.memory_space<semaphore_mem>>)
      %dma_wait3A = tpu.memref_slice %arg3[%add3A_19] : memref<16384xi32, #tpu.memory_space<hbm>> -> memref<128xi32, #tpu.memory_space<hbm>>
      %dma_wait3A_52 = tpu.memref_slice %arg3[%add3A_19] : memref<16384xi32, #tpu.memory_space<hbm>> -> memref<128xi32, #tpu.memory_space<hbm>>
      tpu.wait_dma2 semaphore(%run_scoped3A : memref<!tpu.dma_semaphore, #tpu.memory_space<semaphore_mem>>) src(%dma_wait3A_52 : memref<128xi32, #tpu.memory_space<hbm>>) dst(%arg11 : memref<128xi32, #tpu.memory_space<vmem>>)
      tpu.yield
    }) : () -> ()
    %scan3A_20 = arith.constant 0 : i32
    %scan3A_21 = arith.constant 0 : i32
    %scan3A_22 = arith.constant 128 : i32
    %scan3A_23 = arith.addi %scan3A_21, %scan3A_22 : i32
    %scan3A_24 = arith.constant 1 : i32
    scf.for %scan3A_51 = %scan3A_21 to %scan3A_23 step %scan3A_24  : i32 {
      %broadcast_in_dim3A = arith.constant 0.000000e+00 : f32
      %broadcast_in_dim3A_52 = vector.broadcast %broadcast_in_dim3A : f32 to vector<16xf32>
      %get3A = arith.index_cast %scan3A_51 : i32 to index
      %get3A_53 = arith.constant 0 : index
      %get3A_54 = tpu.vector_load %arg9[%get3A, %get3A_53] {strides = array<i32>} : memref<128x128xf32, #tpu.memory_space<vmem>>, vector<16xf32>,
      %mul3A_55 = arith.mulf %get3A_54, %get3A_54 : vector<16xf32>
      %add3A_56 = arith.addf %broadcast_in_dim3A_52, %mul3A_55 : vector<16xf32>
      %get3A_57 = arith.index_cast %scan3A_51 : i32 to index
      %get3A_58 = arith.constant 16 : index
      %get3A_59 = tpu.vector_load %arg9[%get3A_57, %get3A_58] {strides = array<i32>} : memref<128x128xf32, #tpu.memory_space<vmem>>, vector<16xf32>,
      %mul3A_60 = arith.mulf %get3A_59, %get3A_59 : vector<16xf32>
      %add3A_61 = arith.addf %add3A_56, %mul3A_60 : vector<16xf32>
      %get3A_62 = arith.index_cast %scan3A_51 : i32 to index
      %get3A_63 = arith.constant 32 : index
      %get3A_64 = tpu.vector_load %arg9[%get3A_62, %get3A_63] {strides = array<i32>} : memref<128x128xf32, #tpu.memory_space<vmem>>, vector<16xf32>,
      %mul3A_65 = arith.mulf %get3A_64, %get3A_64 : vector<16xf32>
      %add3A_66 = arith.addf %add3A_61, %mul3A_65 : vector<16xf32>
      %get3A_67 = arith.index_cast %scan3A_51 : i32 to index
      %get3A_68 = arith.constant 48 : index
      %get3A_69 = tpu.vector_load %arg9[%get3A_67, %get3A_68] {strides = array<i32>} : memref<128x128xf32, #tpu.memory_space<vmem>>, vector<16xf32>,
      %mul3A_70 = arith.mulf %get3A_69, %get3A_69 : vector<16xf32>
      %add3A_71 = arith.addf %add3A_66, %mul3A_70 : vector<16xf32>
      %get3A_72 = arith.index_cast %scan3A_51 : i32 to index
      %get3A_73 = arith.constant 64 : index
      %get3A_74 = tpu.vector_load %arg9[%get3A_72, %get3A_73] {strides = array<i32>} : memref<128x128xf32, #tpu.memory_space<vmem>>, vector<16xf32>,
      %mul3A_75 = arith.mulf %get3A_74, %get3A_74 : vector<16xf32>
      %add3A_76 = arith.addf %add3A_71, %mul3A_75 : vector<16xf32>
      %get3A_77 = arith.index_cast %scan3A_51 : i32 to index
      %get3A_78 = arith.constant 80 : index
      %get3A_79 = tpu.vector_load %arg9[%get3A_77, %get3A_78] {strides = array<i32>} : memref<128x128xf32, #tpu.memory_space<vmem>>, vector<16xf32>,
      %mul3A_80 = arith.mulf %get3A_79, %get3A_79 : vector<16xf32>
      %add3A_81 = arith.addf %add3A_76, %mul3A_80 : vector<16xf32>
      %get3A_82 = arith.index_cast %scan3A_51 : i32 to index
      %get3A_83 = arith.constant 96 : index
      %get3A_84 = tpu.vector_load %arg9[%get3A_82, %get3A_83] {strides = array<i32>} : memref<128x128xf32, #tpu.memory_space<vmem>>, vector<16xf32>,
      %mul3A_85 = arith.mulf %get3A_84, %get3A_84 : vector<16xf32>
      %add3A_86 = arith.addf %add3A_81, %mul3A_85 : vector<16xf32>
      %get3A_87 = arith.index_cast %scan3A_51 : i32 to index
      %get3A_88 = arith.constant 112 : index
      %get3A_89 = tpu.vector_load %arg9[%get3A_87, %get3A_88] {strides = array<i32>} : memref<128x128xf32, #tpu.memory_space<vmem>>, vector<16xf32>,
      %mul3A_90 = arith.mulf %get3A_89, %get3A_89 : vector<16xf32>
      %add3A_91 = arith.addf %add3A_86, %mul3A_90 : vector<16xf32>
      %reduce_sum3A = arith.constant true
      %reduce_sum3A_92 = vector.broadcast %reduce_sum3A : i1 to vector<16xi1>
      %reduce_sum3A_93 = tpu.scan <sum>, %add3A_91 masked %reduce_sum3A_92 : vector<16xf32>, vector<16xi1> -> vector<16xf32>
      %reduce_sum3A_94 = vector.extract %reduce_sum3A_93[15] : f32 from vector<16xf32>
      %broadcast_in_dim3A_95 = vector.broadcast %reduce_sum3A_94 : f32 to vector<16xf32>
      %max3A = arith.constant 1.000000e-24 : f32
      %max3A_96 = vector.broadcast %max3A : f32 to vector<16xf32>
      %max3A_97 = arith.maximumf %broadcast_in_dim3A_95, %max3A_96 : vector<16xf32>
      %bitcast_convert_type3A = tpu.bitcast %max3A_97 : vector<16xf32> -> vector<16xi32>
      %shift_right_logical3A = arith.constant 1 : i32
      %shift_right_logical3A_98 = vector.broadcast %shift_right_logical3A : i32 to vector<16xi32>
      %shift_right_logical3A_99 = arith.shrui %bitcast_convert_type3A, %shift_right_logical3A_98 : vector<16xi32>
      %sub3A = arith.constant 1597463007 : i32
      %sub3A_100 = vector.broadcast %sub3A : i32 to vector<16xi32>
      %sub3A_101 = arith.subi %sub3A_100, %shift_right_logical3A_99 : vector<16xi32>
      %bitcast_convert_type3A_102 = tpu.bitcast %sub3A_101 : vector<16xi32> -> vector<16xf32>
      %mul3A_103 = arith.constant 5.000000e-01 : f32
      %mul3A_104 = vector.broadcast %mul3A_103 : f32 to vector<16xf32>
      %mul3A_105 = arith.mulf %mul3A_104, %max3A_97 : vector<16xf32>
      %mul3A_106 = arith.mulf %mul3A_105, %bitcast_convert_type3A_102 : vector<16xf32>
      %mul3A_107 = arith.mulf %mul3A_106, %bitcast_convert_type3A_102 : vector<16xf32>
      %sub3A_108 = arith.constant 1.500000e+00 : f32
      %sub3A_109 = vector.broadcast %sub3A_108 : f32 to vector<16xf32>
      %sub3A_110 = arith.subf %sub3A_109, %mul3A_107 : vector<16xf32>
      %mul3A_111 = arith.mulf %bitcast_convert_type3A_102, %sub3A_110 : vector<16xf32>
      %mul3A_112 = arith.constant 5.000000e-01 : f32
      %mul3A_113 = vector.broadcast %mul3A_112 : f32 to vector<16xf32>
      %mul3A_114 = arith.mulf %mul3A_113, %max3A_97 : vector<16xf32>
      %mul3A_115 = arith.mulf %mul3A_114, %mul3A_111 : vector<16xf32>
      %mul3A_116 = arith.mulf %mul3A_115, %mul3A_111 : vector<16xf32>
      %sub3A_117 = arith.constant 1.500000e+00 : f32
      %sub3A_118 = vector.broadcast %sub3A_117 : f32 to vector<16xf32>
      %sub3A_119 = arith.subf %sub3A_118, %mul3A_116 : vector<16xf32>
      %mul3A_120 = arith.mulf %mul3A_111, %sub3A_119 : vector<16xf32>
      %get3A_121 = arith.index_cast %scan3A_51 : i32 to index
      %get3A_122 = arith.constant 0 : index
      %get3A_123 = tpu.vector_load %arg9[%get3A_121, %get3A_122] {strides = array<i32>} : memref<128x128xf32, #tpu.memory_space<vmem>>, vector<16xf32>,
      %mul3A_124 = arith.mulf %get3A_123, %mul3A_120 : vector<16xf32>
      %swap3A = arith.index_cast %scan3A_51 : i32 to index
      %swap3A_125 = arith.constant 0 : index
      %swap3A_126 = tpu.vector_load %arg10[%swap3A, %swap3A_125] {strides = array<i32>} : memref<128x128xf32, #tpu.memory_space<vmem>>, vector<16xf32>,
      tpu.vector_store %arg10[%swap3A, %swap3A_125], %mul3A_124 {strides = array<i32>} : memref<128x128xf32, #tpu.memory_space<vmem>>, vector<16xf32>,
      %get3A_127 = arith.index_cast %scan3A_51 : i32 to index
      %get3A_128 = arith.constant 16 : index
      %get3A_129 = tpu.vector_load %arg9[%get3A_127, %get3A_128] {strides = array<i32>} : memref<128x128xf32, #tpu.memory_space<vmem>>, vector<16xf32>,
      %mul3A_130 = arith.mulf %get3A_129, %mul3A_120 : vector<16xf32>
      %swap3A_131 = arith.index_cast %scan3A_51 : i32 to index
      %swap3A_132 = arith.constant 16 : index
      %swap3A_133 = tpu.vector_load %arg10[%swap3A_131, %swap3A_132] {strides = array<i32>} : memref<128x128xf32, #tpu.memory_space<vmem>>, vector<16xf32>,
      tpu.vector_store %arg10[%swap3A_131, %swap3A_132], %mul3A_130 {strides = array<i32>} : memref<128x128xf32, #tpu.memory_space<vmem>>, vector<16xf32>,
      %get3A_134 = arith.index_cast %scan3A_51 : i32 to index
      %get3A_135 = arith.constant 32 : index
      %get3A_136 = tpu.vector_load %arg9[%get3A_134, %get3A_135] {strides = array<i32>} : memref<128x128xf32, #tpu.memory_space<vmem>>, vector<16xf32>,
      %mul3A_137 = arith.mulf %get3A_136, %mul3A_120 : vector<16xf32>
      %swap3A_138 = arith.index_cast %scan3A_51 : i32 to index
      %swap3A_139 = arith.constant 32 : index
      %swap3A_140 = tpu.vector_load %arg10[%swap3A_138, %swap3A_139] {strides = array<i32>} : memref<128x128xf32, #tpu.memory_space<vmem>>, vector<16xf32>,
      tpu.vector_store %arg10[%swap3A_138, %swap3A_139], %mul3A_137 {strides = array<i32>} : memref<128x128xf32, #tpu.memory_space<vmem>>, vector<16xf32>,
      %get3A_141 = arith.index_cast %scan3A_51 : i32 to index
      %get3A_142 = arith.constant 48 : index
      %get3A_143 = tpu.vector_load %arg9[%get3A_141, %get3A_142] {strides = array<i32>} : memref<128x128xf32, #tpu.memory_space<vmem>>, vector<16xf32>,
      %mul3A_144 = arith.mulf %get3A_143, %mul3A_120 : vector<16xf32>
      %swap3A_145 = arith.index_cast %scan3A_51 : i32 to index
      %swap3A_146 = arith.constant 48 : index
      %swap3A_147 = tpu.vector_load %arg10[%swap3A_145, %swap3A_146] {strides = array<i32>} : memref<128x128xf32, #tpu.memory_space<vmem>>, vector<16xf32>,
      tpu.vector_store %arg10[%swap3A_145, %swap3A_146], %mul3A_144 {strides = array<i32>} : memref<128x128xf32, #tpu.memory_space<vmem>>, vector<16xf32>,
      %get3A_148 = arith.index_cast %scan3A_51 : i32 to index
      %get3A_149 = arith.constant 64 : index
      %get3A_150 = tpu.vector_load %arg9[%get3A_148, %get3A_149] {strides = array<i32>} : memref<128x128xf32, #tpu.memory_space<vmem>>, vector<16xf32>,
      %mul3A_151 = arith.mulf %get3A_150, %mul3A_120 : vector<16xf32>
      %swap3A_152 = arith.index_cast %scan3A_51 : i32 to index
      %swap3A_153 = arith.constant 64 : index
      %swap3A_154 = tpu.vector_load %arg10[%swap3A_152, %swap3A_153] {strides = array<i32>} : memref<128x128xf32, #tpu.memory_space<vmem>>, vector<16xf32>,
      tpu.vector_store %arg10[%swap3A_152, %swap3A_153], %mul3A_151 {strides = array<i32>} : memref<128x128xf32, #tpu.memory_space<vmem>>, vector<16xf32>,
      %get3A_155 = arith.index_cast %scan3A_51 : i32 to index
      %get3A_156 = arith.constant 80 : index
      %get3A_157 = tpu.vector_load %arg9[%get3A_155, %get3A_156] {strides = array<i32>} : memref<128x128xf32, #tpu.memory_space<vmem>>, vector<16xf32>,
      %mul3A_158 = arith.mulf %get3A_157, %mul3A_120 : vector<16xf32>
      %swap3A_159 = arith.index_cast %scan3A_51 : i32 to index
      %swap3A_160 = arith.constant 80 : index
      %swap3A_161 = tpu.vector_load %arg10[%swap3A_159, %swap3A_160] {strides = array<i32>} : memref<128x128xf32, #tpu.memory_space<vmem>>, vector<16xf32>,
      tpu.vector_store %arg10[%swap3A_159, %swap3A_160], %mul3A_158 {strides = array<i32>} : memref<128x128xf32, #tpu.memory_space<vmem>>, vector<16xf32>,
      %get3A_162 = arith.index_cast %scan3A_51 : i32 to index
      %get3A_163 = arith.constant 96 : index
      %get3A_164 = tpu.vector_load %arg9[%get3A_162, %get3A_163] {strides = array<i32>} : memref<128x128xf32, #tpu.memory_space<vmem>>, vector<16xf32>,
      %mul3A_165 = arith.mulf %get3A_164, %mul3A_120 : vector<16xf32>
      %swap3A_166 = arith.index_cast %scan3A_51 : i32 to index
      %swap3A_167 = arith.constant 96 : index
      %swap3A_168 = tpu.vector_load %arg10[%swap3A_166, %swap3A_167] {strides = array<i32>} : memref<128x128xf32, #tpu.memory_space<vmem>>, vector<16xf32>,
      tpu.vector_store %arg10[%swap3A_166, %swap3A_167], %mul3A_165 {strides = array<i32>} : memref<128x128xf32, #tpu.memory_space<vmem>>, vector<16xf32>,
      %get3A_169 = arith.index_cast %scan3A_51 : i32 to index
      %get3A_170 = arith.constant 112 : index
      %get3A_171 = tpu.vector_load %arg9[%get3A_169, %get3A_170] {strides = array<i32>} : memref<128x128xf32, #tpu.memory_space<vmem>>, vector<16xf32>,
      %mul3A_172 = arith.mulf %get3A_171, %mul3A_120 : vector<16xf32>
      %swap3A_173 = arith.index_cast %scan3A_51 : i32 to index
      %swap3A_174 = arith.constant 112 : index
      %swap3A_175 = tpu.vector_load %arg10[%swap3A_173, %swap3A_174] {strides = array<i32>} : memref<128x128xf32, #tpu.memory_space<vmem>>, vector<16xf32>,
      tpu.vector_store %arg10[%swap3A_173, %swap3A_174], %mul3A_172 {strides = array<i32>} : memref<128x128xf32, #tpu.memory_space<vmem>>, vector<16xf32>,
    }
    %scan3A_25 = arith.constant 128 : i32
    "tpu.region"() ({
      %run_scoped3A = tpu.sem_alloc : memref<!tpu.dma_semaphore, #tpu.memory_space<semaphore_mem>>
      %dma_start3A = arith.constant 0 : i32
      %dma_start3A_51 = arith.constant 0 : i32
      %dma_start3A_52 = tpu.memref_slice %arg13[%dma_start3A, %dma_start3A_51] : memref<1024x128xf32, #tpu.memory_space<vmem_shared>> -> memref<1024x128xf32, #tpu.memory_space<vmem_shared>>
      tpu.enqueue_indirect_dma source(%arg10 : memref<128x128xf32, #tpu.memory_space<vmem>>) target(%dma_start3A_52 : memref<1024x128xf32, #tpu.memory_space<vmem_shared>>) offsets(%arg11 : memref<128xi32, #tpu.memory_space<vmem>>) semaphore(%run_scoped3A : memref<!tpu.dma_semaphore, #tpu.memory_space<semaphore_mem>>) {add = true}
      %dma_wait3A = arith.constant 0 : i32
      %dma_wait3A_53 = arith.constant 0 : i32
      %dma_wait3A_54 = tpu.memref_slice %arg13[%dma_wait3A, %dma_wait3A_53] : memref<1024x128xf32, #tpu.memory_space<vmem_shared>> -> memref<1024x128xf32, #tpu.memory_space<vmem_shared>>
      tpu.wait_indirect_dma semaphore(%run_scoped3A : memref<!tpu.dma_semaphore, #tpu.memory_space<semaphore_mem>>) src(%arg10 : memref<128x128xf32, #tpu.memory_space<vmem>>) dst(%dma_wait3A_54 : memref<1024x128xf32, #tpu.memory_space<vmem_shared>>)
      tpu.yield
    }) : () -> ()
    "tpu.region"() ({
      %run_scoped3A = tpu.sem_alloc : memref<!tpu.dma_semaphore, #tpu.memory_space<semaphore_mem>>
      %dma_start3A = arith.constant 0 : i32
      %dma_start3A_51 = arith.constant 0 : i32
      %dma_start3A_52 = tpu.memref_slice %arg14[%dma_start3A, %dma_start3A_51] : memref<1024x16xf32, #tpu.memory_space<vmem_shared>> -> memref<1024x16xf32, #tpu.memory_space<vmem_shared>>
      tpu.enqueue_indirect_dma source(%arg12 : memref<128x16xf32, #tpu.memory_space<vmem>>) target(%dma_start3A_52 : memref<1024x16xf32, #tpu.memory_space<vmem_shared>>) offsets(%arg11 : memref<128xi32, #tpu.memory_space<vmem>>) semaphore(%run_scoped3A : memref<!tpu.dma_semaphore, #tpu.memory_space<semaphore_mem>>) {add = true}
      %dma_wait3A = arith.constant 0 : i32
      %dma_wait3A_53 = arith.constant 0 : i32
      %dma_wait3A_54 = tpu.memref_slice %arg14[%dma_wait3A, %dma_wait3A_53] : memref<1024x16xf32, #tpu.memory_space<vmem_shared>> -> memref<1024x16xf32, #tpu.memory_space<vmem_shared>>
      tpu.wait_indirect_dma semaphore(%run_scoped3A : memref<!tpu.dma_semaphore, #tpu.memory_space<semaphore_mem>>) src(%arg12 : memref<128x16xf32, #tpu.memory_space<vmem>>) dst(%dma_wait3A_54 : memref<1024x16xf32, #tpu.memory_space<vmem_shared>>)
      tpu.yield
    }) : () -> ()
    %add3A_26 = arith.constant 256 : i32
    %add3A_27 = arith.addi %mul3A_2, %add3A_26 : i32
    "tpu.region"() ({
      %run_scoped3A = tpu.sem_alloc : memref<!tpu.dma_semaphore, #tpu.memory_space<semaphore_mem>>
      %dma_start3A = arith.constant 0 : i32
      %dma_start3A_51 = tpu.memref_slice %arg2[%add3A_27, %dma_start3A] : memref<16384x128xf32, #tpu.memory_space<hbm>> -> memref<128x128xf32, #tpu.memory_space<hbm>>
      %dma_start3A_52 = arith.constant 0 : i32
      %dma_start3A_53 = tpu.memref_slice %arg2[%add3A_27, %dma_start3A_52] : memref<16384x128xf32, #tpu.memory_space<hbm>> -> memref<128x128xf32, #tpu.memory_space<hbm>>
      tpu.enqueue_dma source(%dma_start3A_53 : memref<128x128xf32, #tpu.memory_space<hbm>>) target(%arg9 : memref<128x128xf32, #tpu.memory_space<vmem>>) target_semaphore(%run_scoped3A : memref<!tpu.dma_semaphore, #tpu.memory_space<semaphore_mem>>)
      %dma_wait3A = arith.constant 0 : i32
      %dma_wait3A_54 = tpu.memref_slice %arg2[%add3A_27, %dma_wait3A] : memref<16384x128xf32, #tpu.memory_space<hbm>> -> memref<128x128xf32, #tpu.memory_space<hbm>>
      %dma_wait3A_55 = arith.constant 0 : i32
      %dma_wait3A_56 = tpu.memref_slice %arg2[%add3A_27, %dma_wait3A_55] : memref<16384x128xf32, #tpu.memory_space<hbm>> -> memref<128x128xf32, #tpu.memory_space<hbm>>
      tpu.wait_dma2 semaphore(%run_scoped3A : memref<!tpu.dma_semaphore, #tpu.memory_space<semaphore_mem>>) src(%dma_wait3A_56 : memref<128x128xf32, #tpu.memory_space<hbm>>) dst(%arg9 : memref<128x128xf32, #tpu.memory_space<vmem>>)
      tpu.yield
    }) : () -> ()
    "tpu.region"() ({
      %run_scoped3A = tpu.sem_alloc : memref<!tpu.dma_semaphore, #tpu.memory_space<semaphore_mem>>
      %dma_start3A = tpu.memref_slice %arg3[%add3A_27] : memref<16384xi32, #tpu.memory_space<hbm>> -> memref<128xi32, #tpu.memory_space<hbm>>
      %dma_start3A_51 = tpu.memref_slice %arg3[%add3A_27] : memref<16384xi32, #tpu.memory_space<hbm>> -> memref<128xi32, #tpu.memory_space<hbm>>
      tpu.enqueue_dma source(%dma_start3A_51 : memref<128xi32, #tpu.memory_space<hbm>>) target(%arg11 : memref<128xi32, #tpu.memory_space<vmem>>) target_semaphore(%run_scoped3A : memref<!tpu.dma_semaphore, #tpu.memory_space<semaphore_mem>>)
      %dma_wait3A = tpu.memref_slice %arg3[%add3A_27] : memref<16384xi32, #tpu.memory_space<hbm>> -> memref<128xi32, #tpu.memory_space<hbm>>
      %dma_wait3A_52 = tpu.memref_slice %arg3[%add3A_27] : memref<16384xi32, #tpu.memory_space<hbm>> -> memref<128xi32, #tpu.memory_space<hbm>>
      tpu.wait_dma2 semaphore(%run_scoped3A : memref<!tpu.dma_semaphore, #tpu.memory_space<semaphore_mem>>) src(%dma_wait3A_52 : memref<128xi32, #tpu.memory_space<hbm>>) dst(%arg11 : memref<128xi32, #tpu.memory_space<vmem>>)
      tpu.yield
    }) : () -> ()
    %scan3A_28 = arith.constant 0 : i32
    %scan3A_29 = arith.constant 0 : i32
    %scan3A_30 = arith.constant 128 : i32
    %scan3A_31 = arith.addi %scan3A_29, %scan3A_30 : i32
    %scan3A_32 = arith.constant 1 : i32
    scf.for %scan3A_51 = %scan3A_29 to %scan3A_31 step %scan3A_32  : i32 {
      %broadcast_in_dim3A = arith.constant 0.000000e+00 : f32
      %broadcast_in_dim3A_52 = vector.broadcast %broadcast_in_dim3A : f32 to vector<16xf32>
      %get3A = arith.index_cast %scan3A_51 : i32 to index
      %get3A_53 = arith.constant 0 : index
      %get3A_54 = tpu.vector_load %arg9[%get3A, %get3A_53] {strides = array<i32>} : memref<128x128xf32, #tpu.memory_space<vmem>>, vector<16xf32>,
      %mul3A_55 = arith.mulf %get3A_54, %get3A_54 : vector<16xf32>
      %add3A_56 = arith.addf %broadcast_in_dim3A_52, %mul3A_55 : vector<16xf32>
      %get3A_57 = arith.index_cast %scan3A_51 : i32 to index
      %get3A_58 = arith.constant 16 : index
      %get3A_59 = tpu.vector_load %arg9[%get3A_57, %get3A_58] {strides = array<i32>} : memref<128x128xf32, #tpu.memory_space<vmem>>, vector<16xf32>,
      %mul3A_60 = arith.mulf %get3A_59, %get3A_59 : vector<16xf32>
      %add3A_61 = arith.addf %add3A_56, %mul3A_60 : vector<16xf32>
      %get3A_62 = arith.index_cast %scan3A_51 : i32 to index
      %get3A_63 = arith.constant 32 : index
      %get3A_64 = tpu.vector_load %arg9[%get3A_62, %get3A_63] {strides = array<i32>} : memref<128x128xf32, #tpu.memory_space<vmem>>, vector<16xf32>,
      %mul3A_65 = arith.mulf %get3A_64, %get3A_64 : vector<16xf32>
      %add3A_66 = arith.addf %add3A_61, %mul3A_65 : vector<16xf32>
      %get3A_67 = arith.index_cast %scan3A_51 : i32 to index
      %get3A_68 = arith.constant 48 : index
      %get3A_69 = tpu.vector_load %arg9[%get3A_67, %get3A_68] {strides = array<i32>} : memref<128x128xf32, #tpu.memory_space<vmem>>, vector<16xf32>,
      %mul3A_70 = arith.mulf %get3A_69, %get3A_69 : vector<16xf32>
      %add3A_71 = arith.addf %add3A_66, %mul3A_70 : vector<16xf32>
      %get3A_72 = arith.index_cast %scan3A_51 : i32 to index
      %get3A_73 = arith.constant 64 : index
      %get3A_74 = tpu.vector_load %arg9[%get3A_72, %get3A_73] {strides = array<i32>} : memref<128x128xf32, #tpu.memory_space<vmem>>, vector<16xf32>,
      %mul3A_75 = arith.mulf %get3A_74, %get3A_74 : vector<16xf32>
      %add3A_76 = arith.addf %add3A_71, %mul3A_75 : vector<16xf32>
      %get3A_77 = arith.index_cast %scan3A_51 : i32 to index
      %get3A_78 = arith.constant 80 : index
      %get3A_79 = tpu.vector_load %arg9[%get3A_77, %get3A_78] {strides = array<i32>} : memref<128x128xf32, #tpu.memory_space<vmem>>, vector<16xf32>,
      %mul3A_80 = arith.mulf %get3A_79, %get3A_79 : vector<16xf32>
      %add3A_81 = arith.addf %add3A_76, %mul3A_80 : vector<16xf32>
      %get3A_82 = arith.index_cast %scan3A_51 : i32 to index
      %get3A_83 = arith.constant 96 : index
      %get3A_84 = tpu.vector_load %arg9[%get3A_82, %get3A_83] {strides = array<i32>} : memref<128x128xf32, #tpu.memory_space<vmem>>, vector<16xf32>,
      %mul3A_85 = arith.mulf %get3A_84, %get3A_84 : vector<16xf32>
      %add3A_86 = arith.addf %add3A_81, %mul3A_85 : vector<16xf32>
      %get3A_87 = arith.index_cast %scan3A_51 : i32 to index
      %get3A_88 = arith.constant 112 : index
      %get3A_89 = tpu.vector_load %arg9[%get3A_87, %get3A_88] {strides = array<i32>} : memref<128x128xf32, #tpu.memory_space<vmem>>, vector<16xf32>,
      %mul3A_90 = arith.mulf %get3A_89, %get3A_89 : vector<16xf32>
      %add3A_91 = arith.addf %add3A_86, %mul3A_90 : vector<16xf32>
      %reduce_sum3A = arith.constant true
      %reduce_sum3A_92 = vector.broadcast %reduce_sum3A : i1 to vector<16xi1>
      %reduce_sum3A_93 = tpu.scan <sum>, %add3A_91 masked %reduce_sum3A_92 : vector<16xf32>, vector<16xi1> -> vector<16xf32>
      %reduce_sum3A_94 = vector.extract %reduce_sum3A_93[15] : f32 from vector<16xf32>
      %broadcast_in_dim3A_95 = vector.broadcast %reduce_sum3A_94 : f32 to vector<16xf32>
      %max3A = arith.constant 1.000000e-24 : f32
      %max3A_96 = vector.broadcast %max3A : f32 to vector<16xf32>
      %max3A_97 = arith.maximumf %broadcast_in_dim3A_95, %max3A_96 : vector<16xf32>
      %bitcast_convert_type3A = tpu.bitcast %max3A_97 : vector<16xf32> -> vector<16xi32>
      %shift_right_logical3A = arith.constant 1 : i32
      %shift_right_logical3A_98 = vector.broadcast %shift_right_logical3A : i32 to vector<16xi32>
      %shift_right_logical3A_99 = arith.shrui %bitcast_convert_type3A, %shift_right_logical3A_98 : vector<16xi32>
      %sub3A = arith.constant 1597463007 : i32
      %sub3A_100 = vector.broadcast %sub3A : i32 to vector<16xi32>
      %sub3A_101 = arith.subi %sub3A_100, %shift_right_logical3A_99 : vector<16xi32>
      %bitcast_convert_type3A_102 = tpu.bitcast %sub3A_101 : vector<16xi32> -> vector<16xf32>
      %mul3A_103 = arith.constant 5.000000e-01 : f32
      %mul3A_104 = vector.broadcast %mul3A_103 : f32 to vector<16xf32>
      %mul3A_105 = arith.mulf %mul3A_104, %max3A_97 : vector<16xf32>
      %mul3A_106 = arith.mulf %mul3A_105, %bitcast_convert_type3A_102 : vector<16xf32>
      %mul3A_107 = arith.mulf %mul3A_106, %bitcast_convert_type3A_102 : vector<16xf32>
      %sub3A_108 = arith.constant 1.500000e+00 : f32
      %sub3A_109 = vector.broadcast %sub3A_108 : f32 to vector<16xf32>
      %sub3A_110 = arith.subf %sub3A_109, %mul3A_107 : vector<16xf32>
      %mul3A_111 = arith.mulf %bitcast_convert_type3A_102, %sub3A_110 : vector<16xf32>
      %mul3A_112 = arith.constant 5.000000e-01 : f32
      %mul3A_113 = vector.broadcast %mul3A_112 : f32 to vector<16xf32>
      %mul3A_114 = arith.mulf %mul3A_113, %max3A_97 : vector<16xf32>
      %mul3A_115 = arith.mulf %mul3A_114, %mul3A_111 : vector<16xf32>
      %mul3A_116 = arith.mulf %mul3A_115, %mul3A_111 : vector<16xf32>
      %sub3A_117 = arith.constant 1.500000e+00 : f32
      %sub3A_118 = vector.broadcast %sub3A_117 : f32 to vector<16xf32>
      %sub3A_119 = arith.subf %sub3A_118, %mul3A_116 : vector<16xf32>
      %mul3A_120 = arith.mulf %mul3A_111, %sub3A_119 : vector<16xf32>
      %get3A_121 = arith.index_cast %scan3A_51 : i32 to index
      %get3A_122 = arith.constant 0 : index
      %get3A_123 = tpu.vector_load %arg9[%get3A_121, %get3A_122] {strides = array<i32>} : memref<128x128xf32, #tpu.memory_space<vmem>>, vector<16xf32>,
      %mul3A_124 = arith.mulf %get3A_123, %mul3A_120 : vector<16xf32>
      %swap3A = arith.index_cast %scan3A_51 : i32 to index
      %swap3A_125 = arith.constant 0 : index
      %swap3A_126 = tpu.vector_load %arg10[%swap3A, %swap3A_125] {strides = array<i32>} : memref<128x128xf32, #tpu.memory_space<vmem>>, vector<16xf32>,
      tpu.vector_store %arg10[%swap3A, %swap3A_125], %mul3A_124 {strides = array<i32>} : memref<128x128xf32, #tpu.memory_space<vmem>>, vector<16xf32>,
      %get3A_127 = arith.index_cast %scan3A_51 : i32 to index
      %get3A_128 = arith.constant 16 : index
      %get3A_129 = tpu.vector_load %arg9[%get3A_127, %get3A_128] {strides = array<i32>} : memref<128x128xf32, #tpu.memory_space<vmem>>, vector<16xf32>,
      %mul3A_130 = arith.mulf %get3A_129, %mul3A_120 : vector<16xf32>
      %swap3A_131 = arith.index_cast %scan3A_51 : i32 to index
      %swap3A_132 = arith.constant 16 : index
      %swap3A_133 = tpu.vector_load %arg10[%swap3A_131, %swap3A_132] {strides = array<i32>} : memref<128x128xf32, #tpu.memory_space<vmem>>, vector<16xf32>,
      tpu.vector_store %arg10[%swap3A_131, %swap3A_132], %mul3A_130 {strides = array<i32>} : memref<128x128xf32, #tpu.memory_space<vmem>>, vector<16xf32>,
      %get3A_134 = arith.index_cast %scan3A_51 : i32 to index
      %get3A_135 = arith.constant 32 : index
      %get3A_136 = tpu.vector_load %arg9[%get3A_134, %get3A_135] {strides = array<i32>} : memref<128x128xf32, #tpu.memory_space<vmem>>, vector<16xf32>,
      %mul3A_137 = arith.mulf %get3A_136, %mul3A_120 : vector<16xf32>
      %swap3A_138 = arith.index_cast %scan3A_51 : i32 to index
      %swap3A_139 = arith.constant 32 : index
      %swap3A_140 = tpu.vector_load %arg10[%swap3A_138, %swap3A_139] {strides = array<i32>} : memref<128x128xf32, #tpu.memory_space<vmem>>, vector<16xf32>,
      tpu.vector_store %arg10[%swap3A_138, %swap3A_139], %mul3A_137 {strides = array<i32>} : memref<128x128xf32, #tpu.memory_space<vmem>>, vector<16xf32>,
      %get3A_141 = arith.index_cast %scan3A_51 : i32 to index
      %get3A_142 = arith.constant 48 : index
      %get3A_143 = tpu.vector_load %arg9[%get3A_141, %get3A_142] {strides = array<i32>} : memref<128x128xf32, #tpu.memory_space<vmem>>, vector<16xf32>,
      %mul3A_144 = arith.mulf %get3A_143, %mul3A_120 : vector<16xf32>
      %swap3A_145 = arith.index_cast %scan3A_51 : i32 to index
      %swap3A_146 = arith.constant 48 : index
      %swap3A_147 = tpu.vector_load %arg10[%swap3A_145, %swap3A_146] {strides = array<i32>} : memref<128x128xf32, #tpu.memory_space<vmem>>, vector<16xf32>,
      tpu.vector_store %arg10[%swap3A_145, %swap3A_146], %mul3A_144 {strides = array<i32>} : memref<128x128xf32, #tpu.memory_space<vmem>>, vector<16xf32>,
      %get3A_148 = arith.index_cast %scan3A_51 : i32 to index
      %get3A_149 = arith.constant 64 : index
      %get3A_150 = tpu.vector_load %arg9[%get3A_148, %get3A_149] {strides = array<i32>} : memref<128x128xf32, #tpu.memory_space<vmem>>, vector<16xf32>,
      %mul3A_151 = arith.mulf %get3A_150, %mul3A_120 : vector<16xf32>
      %swap3A_152 = arith.index_cast %scan3A_51 : i32 to index
      %swap3A_153 = arith.constant 64 : index
      %swap3A_154 = tpu.vector_load %arg10[%swap3A_152, %swap3A_153] {strides = array<i32>} : memref<128x128xf32, #tpu.memory_space<vmem>>, vector<16xf32>,
      tpu.vector_store %arg10[%swap3A_152, %swap3A_153], %mul3A_151 {strides = array<i32>} : memref<128x128xf32, #tpu.memory_space<vmem>>, vector<16xf32>,
      %get3A_155 = arith.index_cast %scan3A_51 : i32 to index
      %get3A_156 = arith.constant 80 : index
      %get3A_157 = tpu.vector_load %arg9[%get3A_155, %get3A_156] {strides = array<i32>} : memref<128x128xf32, #tpu.memory_space<vmem>>, vector<16xf32>,
      %mul3A_158 = arith.mulf %get3A_157, %mul3A_120 : vector<16xf32>
      %swap3A_159 = arith.index_cast %scan3A_51 : i32 to index
      %swap3A_160 = arith.constant 80 : index
      %swap3A_161 = tpu.vector_load %arg10[%swap3A_159, %swap3A_160] {strides = array<i32>} : memref<128x128xf32, #tpu.memory_space<vmem>>, vector<16xf32>,
      tpu.vector_store %arg10[%swap3A_159, %swap3A_160], %mul3A_158 {strides = array<i32>} : memref<128x128xf32, #tpu.memory_space<vmem>>, vector<16xf32>,
      %get3A_162 = arith.index_cast %scan3A_51 : i32 to index
      %get3A_163 = arith.constant 96 : index
      %get3A_164 = tpu.vector_load %arg9[%get3A_162, %get3A_163] {strides = array<i32>} : memref<128x128xf32, #tpu.memory_space<vmem>>, vector<16xf32>,
      %mul3A_165 = arith.mulf %get3A_164, %mul3A_120 : vector<16xf32>
      %swap3A_166 = arith.index_cast %scan3A_51 : i32 to index
      %swap3A_167 = arith.constant 96 : index
      %swap3A_168 = tpu.vector_load %arg10[%swap3A_166, %swap3A_167] {strides = array<i32>} : memref<128x128xf32, #tpu.memory_space<vmem>>, vector<16xf32>,
      tpu.vector_store %arg10[%swap3A_166, %swap3A_167], %mul3A_165 {strides = array<i32>} : memref<128x128xf32, #tpu.memory_space<vmem>>, vector<16xf32>,
      %get3A_169 = arith.index_cast %scan3A_51 : i32 to index
      %get3A_170 = arith.constant 112 : index
      %get3A_171 = tpu.vector_load %arg9[%get3A_169, %get3A_170] {strides = array<i32>} : memref<128x128xf32, #tpu.memory_space<vmem>>, vector<16xf32>,
      %mul3A_172 = arith.mulf %get3A_171, %mul3A_120 : vector<16xf32>
      %swap3A_173 = arith.index_cast %scan3A_51 : i32 to index
      %swap3A_174 = arith.constant 112 : index
      %swap3A_175 = tpu.vector_load %arg10[%swap3A_173, %swap3A_174] {strides = array<i32>} : memref<128x128xf32, #tpu.memory_space<vmem>>, vector<16xf32>,
      tpu.vector_store %arg10[%swap3A_173, %swap3A_174], %mul3A_172 {strides = array<i32>} : memref<128x128xf32, #tpu.memory_space<vmem>>, vector<16xf32>,
    }
    %scan3A_33 = arith.constant 128 : i32
    "tpu.region"() ({
      %run_scoped3A = tpu.sem_alloc : memref<!tpu.dma_semaphore, #tpu.memory_space<semaphore_mem>>
      %dma_start3A = arith.constant 0 : i32
      %dma_start3A_51 = arith.constant 0 : i32
      %dma_start3A_52 = tpu.memref_slice %arg13[%dma_start3A, %dma_start3A_51] : memref<1024x128xf32, #tpu.memory_space<vmem_shared>> -> memref<1024x128xf32, #tpu.memory_space<vmem_shared>>
      tpu.enqueue_indirect_dma source(%arg10 : memref<128x128xf32, #tpu.memory_space<vmem>>) target(%dma_start3A_52 : memref<1024x128xf32, #tpu.memory_space<vmem_shared>>) offsets(%arg11 : memref<128xi32, #tpu.memory_space<vmem>>) semaphore(%run_scoped3A : memref<!tpu.dma_semaphore, #tpu.memory_space<semaphore_mem>>) {add = true}
      %dma_wait3A = arith.constant 0 : i32
      %dma_wait3A_53 = arith.constant 0 : i32
      %dma_wait3A_54 = tpu.memref_slice %arg13[%dma_wait3A, %dma_wait3A_53] : memref<1024x128xf32, #tpu.memory_space<vmem_shared>> -> memref<1024x128xf32, #tpu.memory_space<vmem_shared>>
      tpu.wait_indirect_dma semaphore(%run_scoped3A : memref<!tpu.dma_semaphore, #tpu.memory_space<semaphore_mem>>) src(%arg10 : memref<128x128xf32, #tpu.memory_space<vmem>>) dst(%dma_wait3A_54 : memref<1024x128xf32, #tpu.memory_space<vmem_shared>>)
      tpu.yield
    }) : () -> ()
    "tpu.region"() ({
      %run_scoped3A = tpu.sem_alloc : memref<!tpu.dma_semaphore, #tpu.memory_space<semaphore_mem>>
      %dma_start3A = arith.constant 0 : i32
      %dma_start3A_51 = arith.constant 0 : i32
      %dma_start3A_52 = tpu.memref_slice %arg14[%dma_start3A, %dma_start3A_51] : memref<1024x16xf32, #tpu.memory_space<vmem_shared>> -> memref<1024x16xf32, #tpu.memory_space<vmem_shared>>
      tpu.enqueue_indirect_dma source(%arg12 : memref<128x16xf32, #tpu.memory_space<vmem>>) target(%dma_start3A_52 : memref<1024x16xf32, #tpu.memory_space<vmem_shared>>) offsets(%arg11 : memref<128xi32, #tpu.memory_space<vmem>>) semaphore(%run_scoped3A : memref<!tpu.dma_semaphore, #tpu.memory_space<semaphore_mem>>) {add = true}
      %dma_wait3A = arith.constant 0 : i32
      %dma_wait3A_53 = arith.constant 0 : i32
      %dma_wait3A_54 = tpu.memref_slice %arg14[%dma_wait3A, %dma_wait3A_53] : memref<1024x16xf32, #tpu.memory_space<vmem_shared>> -> memref<1024x16xf32, #tpu.memory_space<vmem_shared>>
      tpu.wait_indirect_dma semaphore(%run_scoped3A : memref<!tpu.dma_semaphore, #tpu.memory_space<semaphore_mem>>) src(%arg12 : memref<128x16xf32, #tpu.memory_space<vmem>>) dst(%dma_wait3A_54 : memref<1024x16xf32, #tpu.memory_space<vmem_shared>>)
      tpu.yield
    }) : () -> ()
    %add3A_34 = arith.constant 384 : i32
    %add3A_35 = arith.addi %mul3A_2, %add3A_34 : i32
    "tpu.region"() ({
      %run_scoped3A = tpu.sem_alloc : memref<!tpu.dma_semaphore, #tpu.memory_space<semaphore_mem>>
      %dma_start3A = arith.constant 0 : i32
      %dma_start3A_51 = tpu.memref_slice %arg2[%add3A_35, %dma_start3A] : memref<16384x128xf32, #tpu.memory_space<hbm>> -> memref<128x128xf32, #tpu.memory_space<hbm>>
      %dma_start3A_52 = arith.constant 0 : i32
      %dma_start3A_53 = tpu.memref_slice %arg2[%add3A_35, %dma_start3A_52] : memref<16384x128xf32, #tpu.memory_space<hbm>> -> memref<128x128xf32, #tpu.memory_space<hbm>>
      tpu.enqueue_dma source(%dma_start3A_53 : memref<128x128xf32, #tpu.memory_space<hbm>>) target(%arg9 : memref<128x128xf32, #tpu.memory_space<vmem>>) target_semaphore(%run_scoped3A : memref<!tpu.dma_semaphore, #tpu.memory_space<semaphore_mem>>)
      %dma_wait3A = arith.constant 0 : i32
      %dma_wait3A_54 = tpu.memref_slice %arg2[%add3A_35, %dma_wait3A] : memref<16384x128xf32, #tpu.memory_space<hbm>> -> memref<128x128xf32, #tpu.memory_space<hbm>>
      %dma_wait3A_55 = arith.constant 0 : i32
      %dma_wait3A_56 = tpu.memref_slice %arg2[%add3A_35, %dma_wait3A_55] : memref<16384x128xf32, #tpu.memory_space<hbm>> -> memref<128x128xf32, #tpu.memory_space<hbm>>
      tpu.wait_dma2 semaphore(%run_scoped3A : memref<!tpu.dma_semaphore, #tpu.memory_space<semaphore_mem>>) src(%dma_wait3A_56 : memref<128x128xf32, #tpu.memory_space<hbm>>) dst(%arg9 : memref<128x128xf32, #tpu.memory_space<vmem>>)
      tpu.yield
    }) : () -> ()
    "tpu.region"() ({
      %run_scoped3A = tpu.sem_alloc : memref<!tpu.dma_semaphore, #tpu.memory_space<semaphore_mem>>
      %dma_start3A = tpu.memref_slice %arg3[%add3A_35] : memref<16384xi32, #tpu.memory_space<hbm>> -> memref<128xi32, #tpu.memory_space<hbm>>
      %dma_start3A_51 = tpu.memref_slice %arg3[%add3A_35] : memref<16384xi32, #tpu.memory_space<hbm>> -> memref<128xi32, #tpu.memory_space<hbm>>
      tpu.enqueue_dma source(%dma_start3A_51 : memref<128xi32, #tpu.memory_space<hbm>>) target(%arg11 : memref<128xi32, #tpu.memory_space<vmem>>) target_semaphore(%run_scoped3A : memref<!tpu.dma_semaphore, #tpu.memory_space<semaphore_mem>>)
      %dma_wait3A = tpu.memref_slice %arg3[%add3A_35] : memref<16384xi32, #tpu.memory_space<hbm>> -> memref<128xi32, #tpu.memory_space<hbm>>
      %dma_wait3A_52 = tpu.memref_slice %arg3[%add3A_35] : memref<16384xi32, #tpu.memory_space<hbm>> -> memref<128xi32, #tpu.memory_space<hbm>>
      tpu.wait_dma2 semaphore(%run_scoped3A : memref<!tpu.dma_semaphore, #tpu.memory_space<semaphore_mem>>) src(%dma_wait3A_52 : memref<128xi32, #tpu.memory_space<hbm>>) dst(%arg11 : memref<128xi32, #tpu.memory_space<vmem>>)
      tpu.yield
    }) : () -> ()
    %scan3A_36 = arith.constant 0 : i32
    %scan3A_37 = arith.constant 0 : i32
    %scan3A_38 = arith.constant 128 : i32
    %scan3A_39 = arith.addi %scan3A_37, %scan3A_38 : i32
    %scan3A_40 = arith.constant 1 : i32
    scf.for %scan3A_51 = %scan3A_37 to %scan3A_39 step %scan3A_40  : i32 {
      %broadcast_in_dim3A = arith.constant 0.000000e+00 : f32
      %broadcast_in_dim3A_52 = vector.broadcast %broadcast_in_dim3A : f32 to vector<16xf32>
      %get3A = arith.index_cast %scan3A_51 : i32 to index
      %get3A_53 = arith.constant 0 : index
      %get3A_54 = tpu.vector_load %arg9[%get3A, %get3A_53] {strides = array<i32>} : memref<128x128xf32, #tpu.memory_space<vmem>>, vector<16xf32>,
      %mul3A_55 = arith.mulf %get3A_54, %get3A_54 : vector<16xf32>
      %add3A_56 = arith.addf %broadcast_in_dim3A_52, %mul3A_55 : vector<16xf32>
      %get3A_57 = arith.index_cast %scan3A_51 : i32 to index
      %get3A_58 = arith.constant 16 : index
      %get3A_59 = tpu.vector_load %arg9[%get3A_57, %get3A_58] {strides = array<i32>} : memref<128x128xf32, #tpu.memory_space<vmem>>, vector<16xf32>,
      %mul3A_60 = arith.mulf %get3A_59, %get3A_59 : vector<16xf32>
      %add3A_61 = arith.addf %add3A_56, %mul3A_60 : vector<16xf32>
      %get3A_62 = arith.index_cast %scan3A_51 : i32 to index
      %get3A_63 = arith.constant 32 : index
      %get3A_64 = tpu.vector_load %arg9[%get3A_62, %get3A_63] {strides = array<i32>} : memref<128x128xf32, #tpu.memory_space<vmem>>, vector<16xf32>,
      %mul3A_65 = arith.mulf %get3A_64, %get3A_64 : vector<16xf32>
      %add3A_66 = arith.addf %add3A_61, %mul3A_65 : vector<16xf32>
      %get3A_67 = arith.index_cast %scan3A_51 : i32 to index
      %get3A_68 = arith.constant 48 : index
      %get3A_69 = tpu.vector_load %arg9[%get3A_67, %get3A_68] {strides = array<i32>} : memref<128x128xf32, #tpu.memory_space<vmem>>, vector<16xf32>,
      %mul3A_70 = arith.mulf %get3A_69, %get3A_69 : vector<16xf32>
      %add3A_71 = arith.addf %add3A_66, %mul3A_70 : vector<16xf32>
      %get3A_72 = arith.index_cast %scan3A_51 : i32 to index
      %get3A_73 = arith.constant 64 : index
      %get3A_74 = tpu.vector_load %arg9[%get3A_72, %get3A_73] {strides = array<i32>} : memref<128x128xf32, #tpu.memory_space<vmem>>, vector<16xf32>,
      %mul3A_75 = arith.mulf %get3A_74, %get3A_74 : vector<16xf32>
      %add3A_76 = arith.addf %add3A_71, %mul3A_75 : vector<16xf32>
      %get3A_77 = arith.index_cast %scan3A_51 : i32 to index
      %get3A_78 = arith.constant 80 : index
      %get3A_79 = tpu.vector_load %arg9[%get3A_77, %get3A_78] {strides = array<i32>} : memref<128x128xf32, #tpu.memory_space<vmem>>, vector<16xf32>,
      %mul3A_80 = arith.mulf %get3A_79, %get3A_79 : vector<16xf32>
      %add3A_81 = arith.addf %add3A_76, %mul3A_80 : vector<16xf32>
      %get3A_82 = arith.index_cast %scan3A_51 : i32 to index
      %get3A_83 = arith.constant 96 : index
      %get3A_84 = tpu.vector_load %arg9[%get3A_82, %get3A_83] {strides = array<i32>} : memref<128x128xf32, #tpu.memory_space<vmem>>, vector<16xf32>,
      %mul3A_85 = arith.mulf %get3A_84, %get3A_84 : vector<16xf32>
      %add3A_86 = arith.addf %add3A_81, %mul3A_85 : vector<16xf32>
      %get3A_87 = arith.index_cast %scan3A_51 : i32 to index
      %get3A_88 = arith.constant 112 : index
      %get3A_89 = tpu.vector_load %arg9[%get3A_87, %get3A_88] {strides = array<i32>} : memref<128x128xf32, #tpu.memory_space<vmem>>, vector<16xf32>,
      %mul3A_90 = arith.mulf %get3A_89, %get3A_89 : vector<16xf32>
      %add3A_91 = arith.addf %add3A_86, %mul3A_90 : vector<16xf32>
      %reduce_sum3A = arith.constant true
      %reduce_sum3A_92 = vector.broadcast %reduce_sum3A : i1 to vector<16xi1>
      %reduce_sum3A_93 = tpu.scan <sum>, %add3A_91 masked %reduce_sum3A_92 : vector<16xf32>, vector<16xi1> -> vector<16xf32>
      %reduce_sum3A_94 = vector.extract %reduce_sum3A_93[15] : f32 from vector<16xf32>
      %broadcast_in_dim3A_95 = vector.broadcast %reduce_sum3A_94 : f32 to vector<16xf32>
      %max3A = arith.constant 1.000000e-24 : f32
      %max3A_96 = vector.broadcast %max3A : f32 to vector<16xf32>
      %max3A_97 = arith.maximumf %broadcast_in_dim3A_95, %max3A_96 : vector<16xf32>
      %bitcast_convert_type3A = tpu.bitcast %max3A_97 : vector<16xf32> -> vector<16xi32>
      %shift_right_logical3A = arith.constant 1 : i32
      %shift_right_logical3A_98 = vector.broadcast %shift_right_logical3A : i32 to vector<16xi32>
      %shift_right_logical3A_99 = arith.shrui %bitcast_convert_type3A, %shift_right_logical3A_98 : vector<16xi32>
      %sub3A = arith.constant 1597463007 : i32
      %sub3A_100 = vector.broadcast %sub3A : i32 to vector<16xi32>
      %sub3A_101 = arith.subi %sub3A_100, %shift_right_logical3A_99 : vector<16xi32>
      %bitcast_convert_type3A_102 = tpu.bitcast %sub3A_101 : vector<16xi32> -> vector<16xf32>
      %mul3A_103 = arith.constant 5.000000e-01 : f32
      %mul3A_104 = vector.broadcast %mul3A_103 : f32 to vector<16xf32>
      %mul3A_105 = arith.mulf %mul3A_104, %max3A_97 : vector<16xf32>
      %mul3A_106 = arith.mulf %mul3A_105, %bitcast_convert_type3A_102 : vector<16xf32>
      %mul3A_107 = arith.mulf %mul3A_106, %bitcast_convert_type3A_102 : vector<16xf32>
      %sub3A_108 = arith.constant 1.500000e+00 : f32
      %sub3A_109 = vector.broadcast %sub3A_108 : f32 to vector<16xf32>
      %sub3A_110 = arith.subf %sub3A_109, %mul3A_107 : vector<16xf32>
      %mul3A_111 = arith.mulf %bitcast_convert_type3A_102, %sub3A_110 : vector<16xf32>
      %mul3A_112 = arith.constant 5.000000e-01 : f32
      %mul3A_113 = vector.broadcast %mul3A_112 : f32 to vector<16xf32>
      %mul3A_114 = arith.mulf %mul3A_113, %max3A_97 : vector<16xf32>
      %mul3A_115 = arith.mulf %mul3A_114, %mul3A_111 : vector<16xf32>
      %mul3A_116 = arith.mulf %mul3A_115, %mul3A_111 : vector<16xf32>
      %sub3A_117 = arith.constant 1.500000e+00 : f32
      %sub3A_118 = vector.broadcast %sub3A_117 : f32 to vector<16xf32>
      %sub3A_119 = arith.subf %sub3A_118, %mul3A_116 : vector<16xf32>
      %mul3A_120 = arith.mulf %mul3A_111, %sub3A_119 : vector<16xf32>
      %get3A_121 = arith.index_cast %scan3A_51 : i32 to index
      %get3A_122 = arith.constant 0 : index
      %get3A_123 = tpu.vector_load %arg9[%get3A_121, %get3A_122] {strides = array<i32>} : memref<128x128xf32, #tpu.memory_space<vmem>>, vector<16xf32>,
      %mul3A_124 = arith.mulf %get3A_123, %mul3A_120 : vector<16xf32>
      %swap3A = arith.index_cast %scan3A_51 : i32 to index
      %swap3A_125 = arith.constant 0 : index
      %swap3A_126 = tpu.vector_load %arg10[%swap3A, %swap3A_125] {strides = array<i32>} : memref<128x128xf32, #tpu.memory_space<vmem>>, vector<16xf32>,
      tpu.vector_store %arg10[%swap3A, %swap3A_125], %mul3A_124 {strides = array<i32>} : memref<128x128xf32, #tpu.memory_space<vmem>>, vector<16xf32>,
      %get3A_127 = arith.index_cast %scan3A_51 : i32 to index
      %get3A_128 = arith.constant 16 : index
      %get3A_129 = tpu.vector_load %arg9[%get3A_127, %get3A_128] {strides = array<i32>} : memref<128x128xf32, #tpu.memory_space<vmem>>, vector<16xf32>,
      %mul3A_130 = arith.mulf %get3A_129, %mul3A_120 : vector<16xf32>
      %swap3A_131 = arith.index_cast %scan3A_51 : i32 to index
      %swap3A_132 = arith.constant 16 : index
      %swap3A_133 = tpu.vector_load %arg10[%swap3A_131, %swap3A_132] {strides = array<i32>} : memref<128x128xf32, #tpu.memory_space<vmem>>, vector<16xf32>,
      tpu.vector_store %arg10[%swap3A_131, %swap3A_132], %mul3A_130 {strides = array<i32>} : memref<128x128xf32, #tpu.memory_space<vmem>>, vector<16xf32>,
      %get3A_134 = arith.index_cast %scan3A_51 : i32 to index
      %get3A_135 = arith.constant 32 : index
      %get3A_136 = tpu.vector_load %arg9[%get3A_134, %get3A_135] {strides = array<i32>} : memref<128x128xf32, #tpu.memory_space<vmem>>, vector<16xf32>,
      %mul3A_137 = arith.mulf %get3A_136, %mul3A_120 : vector<16xf32>
      %swap3A_138 = arith.index_cast %scan3A_51 : i32 to index
      %swap3A_139 = arith.constant 32 : index
      %swap3A_140 = tpu.vector_load %arg10[%swap3A_138, %swap3A_139] {strides = array<i32>} : memref<128x128xf32, #tpu.memory_space<vmem>>, vector<16xf32>,
      tpu.vector_store %arg10[%swap3A_138, %swap3A_139], %mul3A_137 {strides = array<i32>} : memref<128x128xf32, #tpu.memory_space<vmem>>, vector<16xf32>,
      %get3A_141 = arith.index_cast %scan3A_51 : i32 to index
      %get3A_142 = arith.constant 48 : index
      %get3A_143 = tpu.vector_load %arg9[%get3A_141, %get3A_142] {strides = array<i32>} : memref<128x128xf32, #tpu.memory_space<vmem>>, vector<16xf32>,
      %mul3A_144 = arith.mulf %get3A_143, %mul3A_120 : vector<16xf32>
      %swap3A_145 = arith.index_cast %scan3A_51 : i32 to index
      %swap3A_146 = arith.constant 48 : index
      %swap3A_147 = tpu.vector_load %arg10[%swap3A_145, %swap3A_146] {strides = array<i32>} : memref<128x128xf32, #tpu.memory_space<vmem>>, vector<16xf32>,
      tpu.vector_store %arg10[%swap3A_145, %swap3A_146], %mul3A_144 {strides = array<i32>} : memref<128x128xf32, #tpu.memory_space<vmem>>, vector<16xf32>,
      %get3A_148 = arith.index_cast %scan3A_51 : i32 to index
      %get3A_149 = arith.constant 64 : index
      %get3A_150 = tpu.vector_load %arg9[%get3A_148, %get3A_149] {strides = array<i32>} : memref<128x128xf32, #tpu.memory_space<vmem>>, vector<16xf32>,
      %mul3A_151 = arith.mulf %get3A_150, %mul3A_120 : vector<16xf32>
      %swap3A_152 = arith.index_cast %scan3A_51 : i32 to index
      %swap3A_153 = arith.constant 64 : index
      %swap3A_154 = tpu.vector_load %arg10[%swap3A_152, %swap3A_153] {strides = array<i32>} : memref<128x128xf32, #tpu.memory_space<vmem>>, vector<16xf32>,
      tpu.vector_store %arg10[%swap3A_152, %swap3A_153], %mul3A_151 {strides = array<i32>} : memref<128x128xf32, #tpu.memory_space<vmem>>, vector<16xf32>,
      %get3A_155 = arith.index_cast %scan3A_51 : i32 to index
      %get3A_156 = arith.constant 80 : index
      %get3A_157 = tpu.vector_load %arg9[%get3A_155, %get3A_156] {strides = array<i32>} : memref<128x128xf32, #tpu.memory_space<vmem>>, vector<16xf32>,
      %mul3A_158 = arith.mulf %get3A_157, %mul3A_120 : vector<16xf32>
      %swap3A_159 = arith.index_cast %scan3A_51 : i32 to index
      %swap3A_160 = arith.constant 80 : index
      %swap3A_161 = tpu.vector_load %arg10[%swap3A_159, %swap3A_160] {strides = array<i32>} : memref<128x128xf32, #tpu.memory_space<vmem>>, vector<16xf32>,
      tpu.vector_store %arg10[%swap3A_159, %swap3A_160], %mul3A_158 {strides = array<i32>} : memref<128x128xf32, #tpu.memory_space<vmem>>, vector<16xf32>,
      %get3A_162 = arith.index_cast %scan3A_51 : i32 to index
      %get3A_163 = arith.constant 96 : index
      %get3A_164 = tpu.vector_load %arg9[%get3A_162, %get3A_163] {strides = array<i32>} : memref<128x128xf32, #tpu.memory_space<vmem>>, vector<16xf32>,
      %mul3A_165 = arith.mulf %get3A_164, %mul3A_120 : vector<16xf32>
      %swap3A_166 = arith.index_cast %scan3A_51 : i32 to index
      %swap3A_167 = arith.constant 96 : index
      %swap3A_168 = tpu.vector_load %arg10[%swap3A_166, %swap3A_167] {strides = array<i32>} : memref<128x128xf32, #tpu.memory_space<vmem>>, vector<16xf32>,
      tpu.vector_store %arg10[%swap3A_166, %swap3A_167], %mul3A_165 {strides = array<i32>} : memref<128x128xf32, #tpu.memory_space<vmem>>, vector<16xf32>,
      %get3A_169 = arith.index_cast %scan3A_51 : i32 to index
      %get3A_170 = arith.constant 112 : index
      %get3A_171 = tpu.vector_load %arg9[%get3A_169, %get3A_170] {strides = array<i32>} : memref<128x128xf32, #tpu.memory_space<vmem>>, vector<16xf32>,
      %mul3A_172 = arith.mulf %get3A_171, %mul3A_120 : vector<16xf32>
      %swap3A_173 = arith.index_cast %scan3A_51 : i32 to index
      %swap3A_174 = arith.constant 112 : index
      %swap3A_175 = tpu.vector_load %arg10[%swap3A_173, %swap3A_174] {strides = array<i32>} : memref<128x128xf32, #tpu.memory_space<vmem>>, vector<16xf32>,
      tpu.vector_store %arg10[%swap3A_173, %swap3A_174], %mul3A_172 {strides = array<i32>} : memref<128x128xf32, #tpu.memory_space<vmem>>, vector<16xf32>,
    }
    %scan3A_41 = arith.constant 128 : i32
    "tpu.region"() ({
      %run_scoped3A = tpu.sem_alloc : memref<!tpu.dma_semaphore, #tpu.memory_space<semaphore_mem>>
      %dma_start3A = arith.constant 0 : i32
      %dma_start3A_51 = arith.constant 0 : i32
      %dma_start3A_52 = tpu.memref_slice %arg13[%dma_start3A, %dma_start3A_51] : memref<1024x128xf32, #tpu.memory_space<vmem_shared>> -> memref<1024x128xf32, #tpu.memory_space<vmem_shared>>
      tpu.enqueue_indirect_dma source(%arg10 : memref<128x128xf32, #tpu.memory_space<vmem>>) target(%dma_start3A_52 : memref<1024x128xf32, #tpu.memory_space<vmem_shared>>) offsets(%arg11 : memref<128xi32, #tpu.memory_space<vmem>>) semaphore(%run_scoped3A : memref<!tpu.dma_semaphore, #tpu.memory_space<semaphore_mem>>) {add = true}
      %dma_wait3A = arith.constant 0 : i32
      %dma_wait3A_53 = arith.constant 0 : i32
      %dma_wait3A_54 = tpu.memref_slice %arg13[%dma_wait3A, %dma_wait3A_53] : memref<1024x128xf32, #tpu.memory_space<vmem_shared>> -> memref<1024x128xf32, #tpu.memory_space<vmem_shared>>
      tpu.wait_indirect_dma semaphore(%run_scoped3A : memref<!tpu.dma_semaphore, #tpu.memory_space<semaphore_mem>>) src(%arg10 : memref<128x128xf32, #tpu.memory_space<vmem>>) dst(%dma_wait3A_54 : memref<1024x128xf32, #tpu.memory_space<vmem_shared>>)
      tpu.yield
    }) : () -> ()
    "tpu.region"() ({
      %run_scoped3A = tpu.sem_alloc : memref<!tpu.dma_semaphore, #tpu.memory_space<semaphore_mem>>
      %dma_start3A = arith.constant 0 : i32
      %dma_start3A_51 = arith.constant 0 : i32
      %dma_start3A_52 = tpu.memref_slice %arg14[%dma_start3A, %dma_start3A_51] : memref<1024x16xf32, #tpu.memory_space<vmem_shared>> -> memref<1024x16xf32, #tpu.memory_space<vmem_shared>>
      tpu.enqueue_indirect_dma source(%arg12 : memref<128x16xf32, #tpu.memory_space<vmem>>) target(%dma_start3A_52 : memref<1024x16xf32, #tpu.memory_space<vmem_shared>>) offsets(%arg11 : memref<128xi32, #tpu.memory_space<vmem>>) semaphore(%run_scoped3A : memref<!tpu.dma_semaphore, #tpu.memory_space<semaphore_mem>>) {add = true}
      %dma_wait3A = arith.constant 0 : i32
      %dma_wait3A_53 = arith.constant 0 : i32
      %dma_wait3A_54 = tpu.memref_slice %arg14[%dma_wait3A, %dma_wait3A_53] : memref<1024x16xf32, #tpu.memory_space<vmem_shared>> -> memref<1024x16xf32, #tpu.memory_space<vmem_shared>>
      tpu.wait_indirect_dma semaphore(%run_scoped3A : memref<!tpu.dma_semaphore, #tpu.memory_space<semaphore_mem>>) src(%arg12 : memref<128x16xf32, #tpu.memory_space<vmem>>) dst(%dma_wait3A_54 : memref<1024x16xf32, #tpu.memory_space<vmem_shared>>)
      tpu.yield
    }) : () -> ()
    %barrier3A_42 = arith.constant 0 : index
    tpu.barrier barrier_id(%barrier3A_42)
    %mul3A_43 = arith.constant 64 : i32
    %mul3A_44 = arith.muli %arg1, %mul3A_43 : i32
    %mul3A_45 = arith.constant 64 : i32
    %mul3A_46 = arith.muli %arg1, %mul3A_45 : i32
    "tpu.region"() ({
      %run_scoped3A = tpu.sem_alloc : memref<!tpu.dma_semaphore, #tpu.memory_space<semaphore_mem>>
      %dma_start3A = arith.constant 0 : i32
      %dma_start3A_51 = tpu.memref_slice %arg7[%arg0, %mul3A_46, %dma_start3A] : memref<2x1024x128xf32, #tpu.memory_space<hbm>> -> memref<1x64x128xf32, #tpu.memory_space<hbm>>
      %dma_start3A_52 = tpu.memref_squeeze %dma_start3A_51 : memref<1x64x128xf32, #tpu.memory_space<hbm>> -> memref<64x128xf32, #tpu.memory_space<hbm>>
      %dma_start3A_53 = arith.constant 0 : i32
      %dma_start3A_54 = tpu.memref_slice %arg13[%mul3A_44, %dma_start3A_53] : memref<1024x128xf32, #tpu.memory_space<vmem_shared>> -> memref<64x128xf32, #tpu.memory_space<vmem_shared>>
      tpu.enqueue_dma source(%dma_start3A_54 : memref<64x128xf32, #tpu.memory_space<vmem_shared>>) target(%dma_start3A_52 : memref<64x128xf32, #tpu.memory_space<hbm>>) target_semaphore(%run_scoped3A : memref<!tpu.dma_semaphore, #tpu.memory_space<semaphore_mem>>)
      %dma_wait3A = arith.constant 0 : i32
      %dma_wait3A_55 = tpu.memref_slice %arg7[%arg0, %mul3A_46, %dma_wait3A] : memref<2x1024x128xf32, #tpu.memory_space<hbm>> -> memref<1x64x128xf32, #tpu.memory_space<hbm>>
      %dma_wait3A_56 = tpu.memref_squeeze %dma_wait3A_55 : memref<1x64x128xf32, #tpu.memory_space<hbm>> -> memref<64x128xf32, #tpu.memory_space<hbm>>
      %dma_wait3A_57 = arith.constant 0 : i32
      %dma_wait3A_58 = tpu.memref_slice %arg13[%mul3A_44, %dma_wait3A_57] : memref<1024x128xf32, #tpu.memory_space<vmem_shared>> -> memref<64x128xf32, #tpu.memory_space<vmem_shared>>
      tpu.wait_dma2 semaphore(%run_scoped3A : memref<!tpu.dma_semaphore, #tpu.memory_space<semaphore_mem>>) src(%dma_wait3A_58 : memref<64x128xf32, #tpu.memory_space<vmem_shared>>) dst(%dma_wait3A_56 : memref<64x128xf32, #tpu.memory_space<hbm>>)
      tpu.yield
    }) : () -> ()
    %mul3A_47 = arith.constant 64 : i32
    %mul3A_48 = arith.muli %arg1, %mul3A_47 : i32
    %mul3A_49 = arith.constant 64 : i32
    %mul3A_50 = arith.muli %arg1, %mul3A_49 : i32
    "tpu.region"() ({
      %run_scoped3A = tpu.sem_alloc : memref<!tpu.dma_semaphore, #tpu.memory_space<semaphore_mem>>
      %dma_start3A = arith.constant 0 : i32
      %dma_start3A_51 = tpu.memref_slice %arg8[%arg0, %mul3A_50, %dma_start3A] : memref<2x1024x16xf32, #tpu.memory_space<hbm>> -> memref<1x64x16xf32, #tpu.memory_space<hbm>>
      %dma_start3A_52 = tpu.memref_squeeze %dma_start3A_51 : memref<1x64x16xf32, #tpu.memory_space<hbm>> -> memref<64x16xf32, #tpu.memory_space<hbm>>
      %dma_start3A_53 = arith.constant 0 : i32
      %dma_start3A_54 = tpu.memref_slice %arg14[%mul3A_48, %dma_start3A_53] : memref<1024x16xf32, #tpu.memory_space<vmem_shared>> -> memref<64x16xf32, #tpu.memory_space<vmem_shared>>
      tpu.enqueue_dma source(%dma_start3A_54 : memref<64x16xf32, #tpu.memory_space<vmem_shared>>) target(%dma_start3A_52 : memref<64x16xf32, #tpu.memory_space<hbm>>) target_semaphore(%run_scoped3A : memref<!tpu.dma_semaphore, #tpu.memory_space<semaphore_mem>>)
      %dma_wait3A = arith.constant 0 : i32
      %dma_wait3A_55 = tpu.memref_slice %arg8[%arg0, %mul3A_50, %dma_wait3A] : memref<2x1024x16xf32, #tpu.memory_space<hbm>> -> memref<1x64x16xf32, #tpu.memory_space<hbm>>
      %dma_wait3A_56 = tpu.memref_squeeze %dma_wait3A_55 : memref<1x64x16xf32, #tpu.memory_space<hbm>> -> memref<64x16xf32, #tpu.memory_space<hbm>>
      %dma_wait3A_57 = arith.constant 0 : i32
      %dma_wait3A_58 = tpu.memref_slice %arg14[%mul3A_48, %dma_wait3A_57] : memref<1024x16xf32, #tpu.memory_space<vmem_shared>> -> memref<64x16xf32, #tpu.memory_space<vmem_shared>>
      tpu.wait_dma2 semaphore(%run_scoped3A : memref<!tpu.dma_semaphore, #tpu.memory_space<semaphore_mem>>) src(%dma_wait3A_58 : memref<64x16xf32, #tpu.memory_space<vmem_shared>>) dst(%dma_wait3A_56 : memref<64x16xf32, #tpu.memory_space<hbm>>)
      tpu.yield
    }) : () -> ()
    return
  }
}

module attributes {stable_mosaic.version = 14 : i64} {
  func.func @_tc_body(%arg0: i32, %arg1: memref<2048x128xf32, #tpu.memory_space<vmem>>, %arg2: memref<1000x128xf32, #tpu.memory_space<vmem>>, %arg3: memref<2x1024x128xf32, #tpu.memory_space<vmem>>, %arg4: memref<2x1024x16xf32, #tpu.memory_space<vmem>>, %arg5: memref<2048x1000xf32, #tpu.memory_space<vmem>>, %arg6: memref<1000x128xbf16, #tpu.memory_space<vmem>>) attributes {dimension_semantics = [#tpu.dimension_semantics<arbitrary>], iteration_bounds = array<i64: 8>, scalar_prefetch = 0 : i64, scratch_operands = 1 : i64, tpu.core_type = #tpu.core_type<tc>, window_params = [{transform_indices = @transform_0, window_bounds = array<i64: 2048, 128>}, {pipeline_mode = #tpu.pipeline_mode<synchronous>, transform_indices = @transform_1, window_bounds = array<i64: 1000, 128>}, {pipeline_mode = #tpu.pipeline_mode<synchronous>, transform_indices = @transform_2, window_bounds = array<i64: 2, 1024, 128>}, {pipeline_mode = #tpu.pipeline_mode<synchronous>, transform_indices = @transform_3, window_bounds = array<i64: 2, 1024, 16>}, {transform_indices = @transform_4, window_bounds = array<i64: 2048, 1000>}]} {
    %eq3A = arith.constant 0 : i32
    %eq3A_0 = arith.cmpi eq, %arg0, %eq3A : i32
    %convert_element_type3A = arith.extui %eq3A_0 : i1 to i32
    %cond3A = arith.constant 0 : i32
    %cond3A_1 = arith.cmpi ne, %convert_element_type3A, %cond3A : i32
    scf.if %cond3A_1 {
      %get3A_26 = arith.constant 0 : index
      %get3A_27 = arith.constant 0 : index
      %get3A_28 = arith.constant 0 : index
      %get3A_29 = vector.load %arg3[%get3A_26, %get3A_27, %get3A_28] : memref<2x1024x128xf32, #tpu.memory_space<vmem>>, vector<1x1000x128xf32>
      %get3A_30 = vector.shape_cast %get3A_29 : vector<1x1000x128xf32> to vector<1000x128xf32>
      %get3A_31 = arith.constant 1 : index
      %get3A_32 = arith.constant 0 : index
      %get3A_33 = arith.constant 0 : index
      %get3A_34 = vector.load %arg3[%get3A_31, %get3A_32, %get3A_33] : memref<2x1024x128xf32, #tpu.memory_space<vmem>>, vector<1x1000x128xf32>
      %get3A_35 = vector.shape_cast %get3A_34 : vector<1x1000x128xf32> to vector<1000x128xf32>
      %add3A = arith.addf %get3A_30, %get3A_35 : vector<1000x128xf32>
      %get3A_36 = arith.constant 0 : index
      %get3A_37 = arith.constant 0 : index
      %get3A_38 = arith.constant 0 : index
      %get3A_39 = vector.load %arg4[%get3A_36, %get3A_37, %get3A_38] : memref<2x1024x16xf32, #tpu.memory_space<vmem>>, vector<1x1000x1xf32>
      %get3A_40 = vector.shape_cast %get3A_39 : vector<1x1000x1xf32> to vector<1000x1xf32>
      %get3A_41 = arith.constant 1 : index
      %get3A_42 = arith.constant 0 : index
      %get3A_43 = arith.constant 0 : index
      %get3A_44 = vector.load %arg4[%get3A_41, %get3A_42, %get3A_43] : memref<2x1024x16xf32, #tpu.memory_space<vmem>>, vector<1x1000x1xf32>
      %get3A_45 = vector.shape_cast %get3A_44 : vector<1x1000x1xf32> to vector<1000x1xf32>
      %add3A_46 = arith.addf %get3A_40, %get3A_45 : vector<1000x1xf32>
      %get3A_47 = arith.constant 0 : index
      %get3A_48 = arith.constant 0 : index
      %get3A_49 = vector.load %arg2[%get3A_47, %get3A_48] : memref<1000x128xf32, #tpu.memory_space<vmem>>, vector<1000x128xf32>
      %mul3A_50 = arith.mulf %get3A_49, %get3A_49 : vector<1000x128xf32>
      %reduce_sum3A_51 = arith.constant dense<0.000000e+00> : vector<1000xf32>
      %reduce_sum3A_52 = vector.multi_reduction <add>, %mul3A_50, %reduce_sum3A_51 [1] : vector<1000x128xf32> to vector<1000xf32>
      %broadcast_in_dim3A_53 = vector.shape_cast %reduce_sum3A_52 : vector<1000xf32> to vector<1000x1xf32>
      %max3A_54 = arith.constant 1.000000e-24 : f32
      %max3A_55 = vector.broadcast %max3A_54 : f32 to vector<1000x1xf32>
      %max3A_56 = arith.maximumf %broadcast_in_dim3A_53, %max3A_55 : vector<1000x1xf32>
      %rsqrt3A_57 = math.rsqrt %max3A_56 : vector<1000x1xf32>
      %mul3A_58 = vector.broadcast %rsqrt3A_57 : vector<1000x1xf32> to vector<1000x128xf32>
      %mul3A_59 = arith.mulf %get3A_49, %mul3A_58 : vector<1000x128xf32>
      %mul3A_60 = arith.mulf %add3A, %add3A : vector<1000x128xf32>
      %reduce_sum3A_61 = arith.constant dense<0.000000e+00> : vector<1000xf32>
      %reduce_sum3A_62 = vector.multi_reduction <add>, %mul3A_60, %reduce_sum3A_61 [1] : vector<1000x128xf32> to vector<1000xf32>
      %broadcast_in_dim3A_63 = vector.shape_cast %reduce_sum3A_62 : vector<1000xf32> to vector<1000x1xf32>
      %max3A_64 = arith.constant 1.000000e-24 : f32
      %max3A_65 = vector.broadcast %max3A_64 : f32 to vector<1000x1xf32>
      %max3A_66 = arith.maximumf %broadcast_in_dim3A_63, %max3A_65 : vector<1000x1xf32>
      %rsqrt3A_67 = math.rsqrt %max3A_66 : vector<1000x1xf32>
      %mul3A_68 = vector.broadcast %rsqrt3A_67 : vector<1000x1xf32> to vector<1000x128xf32>
      %mul3A_69 = arith.mulf %add3A, %mul3A_68 : vector<1000x128xf32>
      %mul3A_70 = arith.constant 9.900000e-01 : f32
      %mul3A_71 = vector.broadcast %mul3A_70 : f32 to vector<1000x128xf32>
      %mul3A_72 = arith.mulf %mul3A_71, %mul3A_59 : vector<1000x128xf32>
      %mul3A_73 = arith.constant 0.00999999977 : f32
      %mul3A_74 = vector.broadcast %mul3A_73 : f32 to vector<1000x128xf32>
      %mul3A_75 = arith.mulf %mul3A_74, %mul3A_69 : vector<1000x128xf32>
      %add3A_76 = arith.addf %mul3A_72, %mul3A_75 : vector<1000x128xf32>
      %mul3A_77 = arith.mulf %add3A_76, %add3A_76 : vector<1000x128xf32>
      %reduce_sum3A_78 = arith.constant dense<0.000000e+00> : vector<1000xf32>
      %reduce_sum3A_79 = vector.multi_reduction <add>, %mul3A_77, %reduce_sum3A_78 [1] : vector<1000x128xf32> to vector<1000xf32>
      %broadcast_in_dim3A_80 = vector.shape_cast %reduce_sum3A_79 : vector<1000xf32> to vector<1000x1xf32>
      %max3A_81 = arith.constant 1.000000e-24 : f32
      %max3A_82 = vector.broadcast %max3A_81 : f32 to vector<1000x1xf32>
      %max3A_83 = arith.maximumf %broadcast_in_dim3A_80, %max3A_82 : vector<1000x1xf32>
      %rsqrt3A_84 = math.rsqrt %max3A_83 : vector<1000x1xf32>
      %mul3A_85 = vector.broadcast %rsqrt3A_84 : vector<1000x1xf32> to vector<1000x128xf32>
      %mul3A_86 = arith.mulf %add3A_76, %mul3A_85 : vector<1000x128xf32>
      %gt3A = arith.constant 0.000000e+00 : f32
      %gt3A_87 = vector.broadcast %gt3A : f32 to vector<1000x1xf32>
      %gt3A_88 = arith.cmpf ogt, %add3A_46, %gt3A_87 : vector<1000x1xf32>
      %broadcast_in_dim3A_89 = vector.shape_cast %gt3A_88 : vector<1000x1xi1> to vector<1000x1xi1>
      %broadcast_in_dim3A_90 = vector.broadcast %broadcast_in_dim3A_89 : vector<1000x1xi1> to vector<1000x128xi1>
      %select_n3A = arith.select %broadcast_in_dim3A_90, %mul3A_86, %mul3A_59 : vector<1000x128xi1>, vector<1000x128xf32>
      %convert_element_type3A_91 = arith.truncf %select_n3A : vector<1000x128xf32> to vector<1000x128xbf16>
      %swap3A_92 = arith.constant 0 : index
      %swap3A_93 = arith.constant 0 : index
      %swap3A_94 = vector.load %arg6[%swap3A_92, %swap3A_93] : memref<1000x128xbf16, #tpu.memory_space<vmem>>, vector<1000x128xbf16>
      tpu.vector_store %arg6[%swap3A_92, %swap3A_93], %convert_element_type3A_91 {strides = array<i32>} : memref<1000x128xbf16, #tpu.memory_space<vmem>>, vector<1000x128xbf16>,
    } else {
    }
    %get3A = arith.constant 0 : index
    %get3A_2 = arith.constant 0 : index
    %get3A_3 = vector.load %arg1[%get3A, %get3A_2] : memref<2048x128xf32, #tpu.memory_space<vmem>>, vector<2048x128xf32>
    %mul3A = arith.mulf %get3A_3, %get3A_3 : vector<2048x128xf32>
    %reduce_sum3A = arith.constant dense<0.000000e+00> : vector<2048xf32>
    %reduce_sum3A_4 = vector.multi_reduction <add>, %mul3A, %reduce_sum3A [1] : vector<2048x128xf32> to vector<2048xf32>
    %broadcast_in_dim3A = vector.shape_cast %reduce_sum3A_4 : vector<2048xf32> to vector<2048x1xf32>
    %max3A = arith.constant 1.000000e-24 : f32
    %max3A_5 = vector.broadcast %max3A : f32 to vector<2048x1xf32>
    %max3A_6 = arith.maximumf %broadcast_in_dim3A, %max3A_5 : vector<2048x1xf32>
    %rsqrt3A = math.rsqrt %max3A_6 : vector<2048x1xf32>
    %mul3A_7 = vector.broadcast %rsqrt3A : vector<2048x1xf32> to vector<2048x128xf32>
    %mul3A_8 = arith.mulf %get3A_3, %mul3A_7 : vector<2048x128xf32>
    %convert_element_type3A_9 = arith.truncf %mul3A_8 : vector<2048x128xf32> to vector<2048x128xbf16>
    %get3A_10 = arith.constant 0 : index
    %get3A_11 = arith.constant 0 : index
    %get3A_12 = vector.load %arg6[%get3A_10, %get3A_11] : memref<1000x128xbf16, #tpu.memory_space<vmem>>, vector<1000x128xbf16>
    %dot_general3A = arith.constant dense<0.000000e+00> : vector<2048x1000xf32>
    %dot_general3A_13 = tpu.matmul %convert_element_type3A_9, %get3A_12, %dot_general3A {dimension_numbers = #tpu.dot_dimension_numbers<[1], [1], [0], [0], [0, 0, 1, 0], [], []>, transpose_lhs_hint = false} : vector<2048x128xbf16>, vector<1000x128xbf16>, vector<2048x1000xf32> -> vector<2048x1000xf32>
    %mul3A_14 = arith.constant 2.000000e+00 : f32
    %mul3A_15 = vector.broadcast %mul3A_14 : f32 to vector<2048x1000xf32>
    %mul3A_16 = arith.mulf %mul3A_15, %dot_general3A_13 : vector<2048x1000xf32>
    %sub3A = arith.constant 2.000000e+00 : f32
    %sub3A_17 = vector.broadcast %sub3A : f32 to vector<2048x1000xf32>
    %sub3A_18 = arith.subf %sub3A_17, %mul3A_16 : vector<2048x1000xf32>
    %max3A_19 = arith.constant 0.000000e+00 : f32
    %max3A_20 = vector.broadcast %max3A_19 : f32 to vector<2048x1000xf32>
    %max3A_21 = arith.maximumf %sub3A_18, %max3A_20 : vector<2048x1000xf32>
    %sqrt3A = math.sqrt %max3A_21 : vector<2048x1000xf32>
    %neg3A = arith.constant 0.000000e+00 : f32
    %neg3A_22 = vector.broadcast %neg3A : f32 to vector<2048x1000xf32>
    %neg3A_23 = arith.subf %neg3A_22, %sqrt3A : vector<2048x1000xf32>
    %swap3A = arith.constant 0 : index
    %swap3A_24 = arith.constant 0 : index
    %swap3A_25 = vector.load %arg5[%swap3A, %swap3A_24] : memref<2048x1000xf32, #tpu.memory_space<vmem>>, vector<2048x1000xf32>
    tpu.vector_store %arg5[%swap3A, %swap3A_24], %neg3A_23 {strides = array<i32>} : memref<2048x1000xf32, #tpu.memory_space<vmem>>, vector<2048x1000xf32>,
    return
  }
  func.func @transform_0(%arg0: i32) -> (i32, i32) {
    %c0_i32 = arith.constant 0 : i32
    %c0_i32_0 = arith.constant 0 : i32
    return %arg0, %c0_i32 : i32, i32
  }
  func.func @transform_1(%arg0: i32) -> (i32, i32) {
    %c0_i32 = arith.constant 0 : i32
    %c0_i32_0 = arith.constant 0 : i32
    %c0_i32_1 = arith.constant 0 : i32
    return %c0_i32, %c0_i32_0 : i32, i32
  }
  func.func @transform_2(%arg0: i32) -> (i32, i32, i32) {
    %c0_i32 = arith.constant 0 : i32
    %c0_i32_0 = arith.constant 0 : i32
    %c0_i32_1 = arith.constant 0 : i32
    %c0_i32_2 = arith.constant 0 : i32
    return %c0_i32, %c0_i32_0, %c0_i32_1 : i32, i32, i32
  }
  func.func @transform_3(%arg0: i32) -> (i32, i32, i32) {
    %c0_i32 = arith.constant 0 : i32
    %c0_i32_0 = arith.constant 0 : i32
    %c0_i32_1 = arith.constant 0 : i32
    %c0_i32_2 = arith.constant 0 : i32
    return %c0_i32, %c0_i32_0, %c0_i32_1 : i32, i32, i32
  }
  func.func @transform_4(%arg0: i32) -> (i32, i32) {
    %c0_i32 = arith.constant 0 : i32
    %c0_i32_0 = arith.constant 0 : i32
    return %arg0, %c0_i32 : i32, i32
  }
}

</mosaic_0001>

<sc_bundles>
// kernel: kernel.4.cloned.1.call-start
scs
__scs_entry_jumppad:
0x0: {  	(pc) =	sbr.rel $0x88, $3  }
0x1: {  	(tag) =	ssettag $0x0;
	lr =	simm.s32 $0x1  }
0x2: {  	[smem:$0x3F9E] =	sst lr;
	_ =	strace $0xD0000000  }
0x3: {  	_ = 	snop  }
0x4: {  	_ = 	snop  }
0x5: {  	_ = 	snop  }
0x6: {  	_ = 	snop  }
0x7: {  	_ = 	snop  }
__scs_overlays_trampoline_lowered:
0x8: {  	[smem:$0x3FAD] =	sst s0  }
0x9: {  	[smem:$0x3FAE] =	sst s1  }
0xa: {  	[smem:$0x3FAF] =	sst s2  }
0xb: {  	[smem:$0x3FB0] =	sst s3  }
0xc: {  	[smem:$0x3FB1] =	sst s4  }
0xd: {  	[smem:$0x3FB2] =	sst s5  }
0xe: {  	[smem:$0x3FB3] =	sst s6  }
0xf: {  	[smem:$0x3FB4] =	sst s7  }
0x10: {  	[smem:$0x3FB5] =	sst s8  }
0x11: {  	[smem:$0x3FB6] =	sst s9;
	s0 =	simm.s32 @!p0 $0x0  }
0x12: {  	s1 =	sld [smem:$0x3F9C];
	s0 =	simm.s32 @p0 $0x1  }
0x13: {  	[smem:$0x3FB7] =	sst s0;
	s0 =	simm.s32 @!p1 $0x0  }
0x14: {  	s2 =	sld [smem:$0x3F9B];
	s0 =	simm.s32 @p1 $0x1  }
0x15: {  	[smem:$0x3FB8] =	sst s0;
	s0 =	simm.s32 @!p2 $0x0  }
0x16: {  	s3 =	sld [smem:$0x3FDB];
	s0 =	simm.s32 @p2 $0x1  }
0x17: {  	s4 =	simm.s32 $0x1BF5;
	[smem:$0x3FBA] =	sst s0  }
0x18: {  	s0 =	sld [smem:$0x3F9D];
	_ =	swait.ge [sflag:s4], $0x0  }
0x19: {  	s7 =	sld [smem:$0x3F9E]  }
0x1a: {  	s8 =	sadd.s32 $0xFFFFE003, lr  }
0x1b: {  	s9 =	sadd.s32 $0xFFFFFEF7, lr;
	s5 =	simm.s32 $0xFFFFFFFF;
	p2 =	slt.u32 s8, $0xFFFFF086  }
0x1c: {  	p1 =	slt.u32 s9, $0xF7A;
	s5 =	simm.s32 @!p2 $0x0  }
0x1d: {  	s5 =	simm.s32 @p1 $0x1;
	p0 =	seq.s32 s7, s2  }
0x1e: {  	s7 =	smul.u32 @!p0 $0xF7A, s2;
	p2 =	seq.s32 @!p0 s5, $0x0  }
0x1f: {  	s9 =	smul.u32 $0xF7A, s1;
	s8 =	simm.s32 @!p0 $0x1BF5;
	p2 =	por !p2, p0  }
0x20: {  	[sflag:s8] =	ssyncset.s32 @!p0 $0xFFFFF086;
	s6 =	sadd.s32 @!p0 s3, s7;
	s7 =	simm.s32 @!p0 $0x108  }
0x21: {  	s3 =	sadd.s32 s3, s9;
	s6 =	sadd.s32 @!p0 $0x88, s6;
	s7 =	simm.s32 @p2 $0x1082  }
0x22: {  	[simem:s7], [sflag:s8] =	dma.local @!p0 [hbm:s6], $0xF7A  }
0x23: {  	s9 =	sor.u32 $0xD0000000, s2;
	s6 =	simm.s32 $0x108;
	_ =	swait.ge @!p0 [sflag:s8], $0x0  }
0x24: {  	s3 =	sadd.s32 $0x88, s3;
	s6 =	simm.s32 @!p1 $0x1082;
	[sflag:s4] =	ssyncset.s32 $0xFFFFF086  }
0x25: {  	[simem:s6], [sflag:s4] =	dma.local [hbm:s3], $0xF7A  }
0x26: {  	[smem:$0x3F9E] =	sst s1;
	(tag) =	ssettag s2;
	_ =	strace s9  }
0x27: {  	s1 =	sld [smem:$0x3FAE]  }
0x28: {  	s2 =	sld [smem:$0x3FAF]  }
0x29: {  	s4 =	sld [smem:$0x3FB1]  }
0x2a: {  	p0 =	seq.s32 s5, $0x0;
	s5 =	sld [smem:$0x3FB2]  }
0x2b: {  	s6 =	sld [smem:$0x3FB3]  }
0x2c: {  	s7 =	sld [smem:$0x3FB4]  }
0x2d: {  	s3 =	simm.s32 $0x108;
	s8 =	sld [smem:$0x3FB5]  }
0x2e: {  	s3 =	simm.s32 @!p0 $0x1082;
	s9 =	sld [smem:$0x3FB6]  }
0x2f: {  	lr =	sadd.s32 s0, s3;
	s0 =	sld [smem:$0x3FAD]  }
0x30: {  	s3 =	sld [smem:$0x3FB0]  }
0x31: {  	[smem:$0x3FB9] =	sst s10  }
0x32: {  	s10 =	sld [smem:$0x3FB7];
	_ =	sdelay $0x3  }
0x33: {  	p0 =	seq.s32 s10, $0x1;
	s10 =	sld [smem:$0x3FB9];
	_ =	sdelay $0x3  }
0x34: {  	[smem:$0x3FB9] =	sst s10  }
0x35: {  	s10 =	sld [smem:$0x3FB8];
	_ =	sdelay $0x3  }
0x36: {  	p1 =	seq.s32 s10, $0x1;
	s10 =	sld [smem:$0x3FB9];
	_ =	sdelay $0x3  }
0x37: {  	[smem:$0x3FB9] =	sst s10  }
0x38: {  	s10 =	sld [smem:$0x3FBA]  }
0x39: {  	_ = 	snop;
	(pc) =	sbr.ind lr, $3  }
0x3a: {  	_ = 	snop  }
0x3b: {  	_ = 	snop  }
0x3c: {  	p2 =	seq.s32 s10, $0x1;
	s10 =	sld [smem:$0x3FB9]  }
0x3d: {  	_ =	shalt  }
0x3e: {  	_ =	shalt  }
0x3f: {  	_ =	shalt  }
0x40: {  	_ =	shalt  }
0x41: {  	_ =	shalt  }
0x42: {  	_ =	shalt  }
0x43: {  	_ =	shalt  }
0x44: {  	_ =	shalt  }
0x45: {  	_ =	shalt  }
0x46: {  	_ =	shalt  }
0x47: {  	_ =	shalt  }
0x48: {  	_ =	shalt  }
0x49: {  	_ =	shalt  }
0x4a: {  	_ =	shalt  }
0x4b: {  	_ =	shalt  }
0x4c: {  	_ =	shalt  }
0x4d: {  	_ =	shalt  }
0x4e: {  	_ =	shalt  }
0x4f: {  	_ =	shalt  }
0x50: {  	_ =	shalt  }
0x51: {  	_ =	shalt  }
0x52: {  	_ =	shalt  }
0x53: {  	_ =	shalt  }
0x54: {  	_ =	shalt  }
0x55: {  	_ =	shalt  }
0x56: {  	_ =	shalt  }
0x57: {  	_ =	shalt  }
0x58: {  	_ =	shalt  }
0x59: {  	_ =	shalt  }
0x5a: {  	_ =	shalt  }
0x5b: {  	_ =	shalt  }
0x5c: {  	_ =	shalt  }
0x5d: {  	_ =	shalt  }
0x5e: {  	_ =	shalt  }
0x5f: {  	_ =	shalt  }
0x60: {  	_ =	shalt  }
0x61: {  	_ =	shalt  }
0x62: {  	_ =	shalt  }
0x63: {  	_ =	shalt  }
0x64: {  	_ =	shalt  }
0x65: {  	_ =	shalt  }
0x66: {  	_ =	shalt  }
0x67: {  	_ =	shalt  }
0x68: {  	_ =	shalt  }
0x69: {  	_ =	shalt  }
0x6a: {  	_ =	shalt  }
0x6b: {  	_ =	shalt  }
0x6c: {  	_ =	shalt  }
0x6d: {  	_ =	shalt  }
0x6e: {  	_ =	shalt  }
0x6f: {  	_ =	shalt  }
0x70: {  	_ =	shalt  }
0x71: {  	_ =	shalt  }
0x72: {  	_ =	shalt  }
0x73: {  	_ =	shalt  }
0x74: {  	_ =	shalt  }
0x75: {  	_ =	shalt  }
0x76: {  	_ =	shalt  }
0x77: {  	_ =	shalt  }
0x78: {  	_ =	shalt  }
0x79: {  	_ =	shalt  }
0x7a: {  	_ =	shalt  }
0x7b: {  	_ =	shalt  }
0x7c: {  	_ =	shalt  }
0x7d: {  	_ =	shalt  }
0x7e: {  	_ =	shalt  }
0x7f: {  	_ =	shalt  }
0x80: {  	_ =	shalt  }
0x81: {  	_ =	shalt  }
0x82: {  	_ =	shalt  }
0x83: {  	_ =	shalt  }
0x84: {  	_ =	shalt  }
0x85: {  	_ =	shalt  }
0x86: {  	_ =	shalt  }
0x87: {  	_ =	shalt  }
.Lfunc_end0:
.L_simem_size_0:
called_computation_lowered:
.L_overlay_start_0:
0x88: {  	s2 =	sld [smem:$0x3FD9]  }
0x89: {  	s3 =	sld [smem:$0x3FFE];
	_ =	sdelay $0x1  }
0x8a: {  	s1 =	srdreg.scid  }
0x8b: {  	s0 =	sand.u32 $0x1, s1  }
0x8c: {  	s17 =	sshll.u32 s0, $0xA;
	s2 =	sadd.s32 s3, s2  }
0x8d: {  	s2 =	sadd.s32 s2, s17  }
0x8e: {  	[smem:$0x3FC5] =	sst s2  }
0x8f: {  	_ = 	snop  }
0x90: {  	s2 =	sld [smem:$0x3FC9]  }
0x91: {  	s18 =	sld [smem:$0x3FC8]  }
0x92: {  	s4 =	sld [smem:$0x3FD0];
	(tm) =	ssettm $0x1  }
0x93: {  	s5 =	sld [smem:$0x3FFB];
	_ =	sdelay $0x3  }
0x94: {  	_ =	strace s5  }
0x95: {  	s5 =	sld [smem:$0x3FFC];
	_ =	sdelay $0x3  }
0x96: {  	_ =	strace s5  }
0x97: {  	s5 =	sld [smem:$0x3FFD];
	_ =	sdelay $0x3  }
0x98: {  	_ =	strace s5  }
0x99: {  	_ =	strace $0x8FFFFFFF  }
0x9a: {  	s19 =	sld [smem:$0x3FDB];
	_ =	sdelay $0x1  }
0x9b: {  	s6 =	simm.s32 $_scs_section_size  }
0x9c: {  	s7 =	simm.s32 $_size__tile_overlayer_lowered;
	s8 =	simm.s32 $_tile_overlayer_lowered  }
0x9d: {  	s22 =	simm.s32 $0x1BFF;
	s21 =	sshll.u32 s8, $0x1;
	s5 =	sadd.s32 s6, s19  }
0x9e: {  	s9 =	simm.s32 $0x0;
	s20 =	sshll.u32 s7, $0x1;
	s7 =	sadd.s32 s21, s5  }
0x9f: {  	[timem:s9], [sflag:s22] =	dma.local [hbm:s7], s20  }
0xa0: {  	_ =	swait.ge [sflag:s22], s20  }
0xa1: {  	s6 =	ssub.s32 $0x0, s20;
	[sflag:s22] =	ssyncset.done $0x0  }
0xa2: {  	[sflag:s22] =	ssyncadd.s32 s6;
	_ =	sdelay $0x1  }
0xa3: {  	s23 =	simm.s32 $0x1B8B  }
0xa4: {  	_ =	swait.ge [sflag:s23], $0x1  }
0xa5: {  	[sflag:s23] =	ssyncset.done $0x0  }
0xa6: {  	s25 =	simm.s32 $0x1B8E;
	s24 =	sld [smem:$0x3FFE];
	[sflag:s23] =	ssyncadd.s32 $0xFFFFFFFF  }
0xa7: {  	s26 =	simm.s32 $execute0_lowered;
	[smem:$0x3FD2] =	sst s25  }
0xa8: {  	s7 =	sshll.u32 s26, $0x1;
	_ =	strace $0x80000046;
	[dreg:$0x1] =	wrdreg $0xFFFFFFFF  }
0xa9: {  	s28 =	simm.s32 $_size_execute0_lowered;
	s5 =	sadd.s32 s5, s7;
	[dreg:$0x0] =	wrdreg $0x0  }
0xaa: {  	s7 =	sshll.u32 s28, $0x1;
	[dreg:$0x2] =	wrdreg s5  }
0xab: {  	[dreg:$0x3] =	wrdreg s7  }
0xac: {  	[dreg:$0x4] =	wrdreg $0xC0  }
0xad: {  	_ =	task [dreg:s9], $0x5FFFF  }
0xae: {  	[dreg:$0x1] =	wrdreg $0xFFFFFFFF  }
0xaf: {  	[dreg:$0x0] =	wrdreg $0x60  }
0xb0: {  	[dreg:$0x2] =	wrdreg s2  }
0xb1: {  	[dreg:$0x3] =	wrdreg s18  }
0xb2: {  	[dreg:$0x4] =	wrdreg s24  }
0xb3: {  	[dreg:$0x5] =	wrdreg s4  }
0xb4: {  	[dreg:$0x6] =	wrdreg $0xC0800  }
0xb5: {  	[dreg:$0x7] =	wrdreg $0xE0800  }
0xb6: {  	[dreg:$0x8] =	wrdreg $0x9  }
0xb7: {  	_ =	task.clear_ibuf [dreg:s9], $0x9FFFF;
	_ =	strace $0x90000046  }
0xb8: {  	s29 =	simm.s32 $0x9;
	_ =	strace $0x80000048  }
0xb9: {  	_ =	swait.ge [sflag:s29], $0x1  }
0xba: {  	[sflag:s29] =	ssyncadd.s32 $0xFFFFFFFF  }
0xbb: {  	_ =	strace $0x90000048  }
0xbc: {  	_ =	sfence  }
0xbd: {  	s30 =	sld [smem:$0x0];
	_ =	sdelay $0x2  }
0xbe: {  	s31 =	sshll.u32 s1, $0xD;
	s1 =	sshrl.u32 s1, $0x2  }
0xbf: {  	s3 =	sand.u32 $0x4000, s31;
	s1 =	sadd.s32 s1, s30  }
0xc0: {  	s0 =	sor.u32 s3, s0;
	s1 =	sshll.u32 s1, $0x11  }
0xc1: {  	s0 =	sor.u32 s1, s0  }
0xc2: {  	s0 =	sadd.s32 $0x8F2B, s0  }
0xc3: {  	[sflag:s0] =	ssyncadd.remote.s32 $0x1  }
0xc4: {  	_ =	sfence.sel $0xFFFF  }
0xc5: {  	[dreg:$0x0] =	wrdreg $0xFFFFFFFF;
	(pc) =	sbr.abs _section_cstart, $3  }
0xc6: {  	[dreg:$0x1] =	wrdreg $0xFFFFFFFF  }
0xc7: {  	_ =	task.clear_ibuf [dreg:s9], $0x2FFFF;
	_ =	strace $0x9FFFFFFF  }
0xc8: {  	(tm) =	ssettm $0x7FFFFFFF  }
0xc9: {  	_ =	shalt  }
tec
execute0_lowered:
.L_overlay_start_1:
0x0: {  	(tag) =	ssettag $0x1  }
0x1: {  	s0 =	rddreg [dreg:$0x0]  }
0x2: {  	s3 =	rddreg [dreg:$0x1]  }
0x3: {  	s5 =	rddreg [dreg:$0x2]  }
0x4: {  	s6 =	rddreg [dreg:$0x3]  }
0x5: {  	s1 =	rddreg [dreg:$0x4]  }
0x6: {  	s2 =	rddreg [dreg:$0x5];
	s4 =	simm.s32 $0x0;
	s7 =	srdreg.scid  }
0x7: {  	s13 =	stileid.u32;
	s28 =	simm.s32 $0x0;
	[smem:$0x7FF] =	sst s4  }
0x8: {  	s7 =	sand.u32 $0x1, s7;
	s8 =	sshll.u32 s13, $0xA;
	s9 =	sshll.u32 s13, $0xD  }
0x9: {  	s12 =	sadd.s32 $0x1000, s5;
	s24 =	sshll.u32 s13, $0x6;
	s10 =	sshll.u32 s7, $0x11  }
0xa: {  	_ =	strace $0x80000047;
	s11 =	sadd.s32 s8, s5;
	[dreg:$0x7] =	wrdreg s12  }
0xb: {  	s22 =	ssub.s32 $0x2, s7;
	s7 =	sshll.u32 s7, $0x9;
	s25 =	sadd.s32 s9, s1  }
0xc: {  	s10 =	sor.u32 s9, s10;
	s23 =	sshrl.u32 s22, $0x1;
	s7 =	sor.u32 s7, s8  }
0xd: {  	[dreg:$0x8] =	wrdreg s25;
	s26 =	sadd.s32 $0x5800, s11;
	s8 =	sor.u32 $0x1C01, s24  }
0xe: {  	s9 =	sadd.s32 s9, s2;
	s24 =	simm.s32 $0x8000;
	s25 =	simm.s32 $0x80  }
0xf: {  	s19 =	sshrl.u32 s10, $0x3;
	s21 =	ssub.s32 s22, s23;
	[dreg:$0x9] =	wrdreg s26  }
0x10: {  	s10 =	sadd.s32 $0x1800, s11;
	s29 =	sshll.u32 s7, $0x4;
	s30 =	sshrl.u32 s7, $0x3  }
0x11: {  	s14 =	sor.u32 $0x80, s7;
	s16 =	sor.u32 $0x100, s7;
	s7 =	sor.u32 $0x180, s7  }
0x12: {  	s22 =	simm.s32 $0x1;
	s23 =	simm.s32 $0x8080;
	s26 =	simm.s32 $0x4000  }
0x13: {  	s5 =	sadd.s32 s19, s5;
	s11 =	sadd.s32 s0, s29;
	s12 =	sadd.s32 s3, s30  }
0x14: {  	s31 =	sshll.u32 s14, $0x4;
	s14 =	sshrl.u32 s14, $0x3;
	s15 =	sshll.u32 s16, $0x4  }
0x15: {  	s16 =	sshrl.u32 s16, $0x3;
	s17 =	sshll.u32 s7, $0x4;
	s7 =	sshrl.u32 s7, $0x3  }
0x16: {  	s19 =	sadd.s32 s6, s19;
	s21 =	smax.u32 s21, $0x1;
	s13 =	sadd.s32 s0, s31  }
0x17: {  	s14 =	sadd.s32 s3, s14;
	s15 =	sadd.s32 s0, s15;
	s16 =	sadd.s32 s3, s16  }
0x18: {  	s17 =	sadd.s32 s0, s17;
	s18 =	sadd.s32 s3, s7;
	s20 =	sadd.s32 $0x9800, s5  }
.LBB2_1:
0x19: {  	s0 =	rddreg [dreg:$0x8]  }
0x1a: {  	s6 =	rddreg [dreg:$0x9];
	s29 =	sshrl.u32 s0, $0x3  }
0x1b: {  	[spmem:s29], [sflag:s8] =	dma.local [hbm:s6], $0x400  }
0x1c: {  	_ =	swait.ge [sflag:s22], $0x400  }
0x1d: {  	[sflag:s22] =	ssyncset.done $0x0  }
0x1e: {  	s30 =	sshrl.u32 s9, $0x3;
	[sflag:s22] =	ssyncadd.s32 $0xFFFFFC00  }
0x1f: {  	[spmem:s30], [sflag:s8] =	dma.local [hbm:s10], $0x400  }
0x20: {  	_ =	swait.ge [sflag:s22], $0x400  }
0x21: {  	[sflag:s22] =	ssyncset.done $0x0  }
0x22: {  	s7 =	rddreg [dreg:$0x7];
	[sflag:s22] =	ssyncadd.s32 $0xFFFFFC00  }
0x23: {  	[tilespmem:s23], [sflag:$0x1] =	stream.linear.gather [hbm4b:s7+s4], $0x4000, $0x38;
	[tilespmem:$0xE480] =	vst v63  }
0x24: {  	_ =	swait.ge [sflag:s22], $0x4000  }
0x25: {  	[sflag:s22] =	ssyncset.done $0x0  }
0x26: {  	[sflag:s22] =	ssyncadd.s32 $0xFFFFC000  }
0x27: {  	[bflag:$0x0] =	sbarrier.arrive $0xFFFF  }
0x28: {  	[tilespmem:s4], [sflag:$0x1] =	stream.linear.gather [hbm4b:s11+s4], $0x4000, $0x38;
	[tilespmem:$0xE480] =	vst v63  }
0x29: {  	_ =	swait.ge [sflag:s22], $0x4000  }
0x2a: {  	[sflag:s22] =	ssyncset.done $0x0  }
0x2b: {  	[sflag:s22] =	ssyncadd.s32 $0xFFFFC000  }
0x2c: {  	[tilespmem:s24], [sflag:$0x1] =	stream.linear.gather [hbm4b:s12+s4], $0x80, $0x38;
	[tilespmem:$0xE480] =	vst v63  }
0x2d: {  	_ =	swait.ge [sflag:s22], $0x80  }
0x2e: {  	[sflag:s22] =	ssyncset.done $0x0  }
0x2f: {  	s5 =	simm.s32 $0x0;
	[sflag:s22] =	ssyncadd.s32 $0xFFFFFF80  }
0x30: {  	v23 =	vld [tilespmem:s5+$0x0]  }
0x31: {  	v24 =	vld [tilespmem:s5+$0x10];
	_ =	sdelay $0x1  }
0x32: {  	v26 =	vld [tilespmem:s5+$0x20];
	_ =	sdelay $0x1  }
0x33: {  	v27 =	vld [tilespmem:s5+$0x30]  }
0x34: {  	v0 =	vmul.f32 v23, v23;
	v1 =	vmul.f32 v24, v24  }
0x35: {  	v28 =	vld [tilespmem:s5+$0x40]  }
0x36: {  	v0 =	vadd.f32 v1, v0;
	v1 =	vmul.f32 v26, v26  }
0x37: {  	v30 =	vld [tilespmem:s5+$0x50]  }
0x38: {  	v0 =	vadd.f32 v1, v0;
	v1 =	vmul.f32 v27, v27  }
0x39: {  	v32 =	vld [tilespmem:s5+$0x60]  }
0x3a: {  	v0 =	vadd.f32 v1, v0;
	v1 =	vmul.f32 v28, v28  }
0x3b: {  	v21 =	vld [tilespmem:s5+$0x70]  }
0x3c: {  	v0 =	vadd.f32 v1, v0;
	v1 =	vmul.f32 v30, v30;
	_ =	sdelay $0x1  }
0x3d: {  	s31 =	simm.s32 $0x80;
	v0 =	vadd.f32 v1, v0;
	v1 =	vmul.f32 v32, v32  }
0x3e: {  	v6 =	vld [tilespmem:s31+$0x0]  }
0x3f: {  	v3 =	vld [tilespmem:s31+$0x10];
	v2 =	vmul.f32 v21, v21;
	v0 =	vadd.f32 v1, v0;
	_ =	sdelay $0x1  }
0x40: {  	v14 =	vld [tilespmem:s31+$0x20];
	v0 =	vadd.f32 v2, v0;
	_ =	sdelay $0x1  }
0x41: {  	v15 =	vld [tilespmem:s31+$0x30];
	(xrf2) =	vadd.scan.msk.f32 $0xffff, v0  }
0x42: {  	v1 =	vmul.f32 v3, v3;
	v0 =	vmul.f32 v6, v6  }
0x43: {  	v5 =	vld [tilespmem:s31+$0x40]  }
0x44: {  	v2 =	vmul.f32 v14, v14;
	v1 =	vadd.f32 v1, v0  }
0x45: {  	v0 =	vld [tilespmem:s31+$0x50]  }
0x46: {  	v4 =	vmul.f32 v15, v15;
	v2 =	vadd.f32 v2, v1  }
0x47: {  	v1 =	vld [tilespmem:s31+$0x60]  }
0x48: {  	v2 =	vadd.f32 v4, v2;
	v4 =	vmul.f32 v5, v5  }
0x49: {  	v22 =	vld [tilespmem:s31+$0x70]  }
0x4a: {  	v2 =	vadd.f32 v4, v2;
	v4 =	vmul.f32 v0, v0  }
0x4b: {  	v7, _, _ =	vpop (xrf2)  }
0x4c: {  	v2 =	vadd.f32 v4, v2;
	v4 =	vmul.f32 v1, v1;
	v7 =	vmax.f32 v7, $1.000000020e-24  }
0x4d: {  	v7 =	vbroadcast v7, $0xF  }
0x4e: {  	v8 =	vmul.f32 v22, v22;
	v2 =	vadd.f32 v4, v2  }
0x4f: {  	s0 =	simm.s32 $0x100;
	v4 =	vshrl.u32 v7, $0x1;
	v10 =	vmul.f32 $5.000000000e-01, v7  }
0x50: {  	v11 =	vld [tilespmem:s0+$0x0];
	v2 =	vadd.f32 v8, v2;
	v8 =	vsub.s32 $0x5F3759DF, v4  }
0x51: {  	v9 =	vld [tilespmem:s0+$0x10];
	v4 =	vmul.f32 v8, v10;
	_ =	sdelay $0x1  }
0x52: {  	v7 =	vld [tilespmem:s0+$0x20];
	(xrf2) =	vadd.scan.msk.f32 $0xffff, v2;
	v2 =	vmul.f32 v8, v4;
	_ =	sdelay $0x1  }
0x53: {  	v4 =	vld [tilespmem:s0+$0x30];
	v2 =	vsub.f32 $1.500000000e+00, v2  }
0x54: {  	v12 =	vmul.f32 v11, v11;
	v13 =	vmul.f32 v9, v9  }
0x55: {  	v18 =	vmul.f32 v8, v2;
	v8 =	vld [tilespmem:s0+$0x40]  }
0x56: {  	v2 =	vadd.f32 v13, v12;
	v12 =	vmul.f32 v7, v7  }
0x57: {  	v13 =	vld [tilespmem:s0+$0x50]  }
0x58: {  	v17 =	vmul.f32 v4, v4;
	v12 =	vadd.f32 v12, v2  }
0x59: {  	v16 =	vmul.f32 v18, v10;
	v10 =	vld [tilespmem:s0+$0x60]  }
0x5a: {  	v20 =	vld [tilespmem:s0+$0x70];
	v17 =	vadd.f32 v17, v12;
	v25 =	vmul.f32 v8, v8;
	_ =	sdelay $0x1  }
0x5b: {  	s3 =	simm.s32 $0x180;
	v31 =	vmul.f32 v13, v13;
	v33 =	vadd.f32 v25, v17  }
0x5c: {  	v2 =	vld [tilespmem:s3+$0x0]  }
0x5d: {  	v16 =	vmul.f32 v16, v18;
	v12 =	vld [tilespmem:s3+$0x10];
	v34 =	vmul.f32 v10, v10;
	v31 =	vadd.f32 v31, v33  }
0x5e: {  	v57 =	vmul.f32 v20, v20;
	v19, _, _ =	vpop (xrf2)  }
0x5f: {  	v19 =	vmax.f32 v19, $1.000000020e-24;
	v29 =	vsub.f32 $1.500000000e+00, v16;
	v16 =	vld [tilespmem:s3+$0x20];
	v31 =	vadd.f32 v34, v31  }
0x60: {  	v19 =	vbroadcast v19, $0xF  }
0x61: {  	v17 =	vld [tilespmem:s3+$0x30];
	v35 =	vmul.f32 v29, v18;
	v29 =	vmul.f32 v2, v2;
	v31 =	vadd.f32 v57, v31  }
0x62: {  	v36 =	vshrl.u32 v19, $0x1;
	v25 =	vmul.f32 $5.000000000e-01, v19;
	v37 =	vmul.f32 v12, v12  }
0x63: {  	v18 =	vld [tilespmem:s3+$0x40];
	v36 =	vsub.s32 $0x5F3759DF, v36;
	(xrf2) =	vadd.scan.msk.f32 $0xffff, v31  }
0x64: {  	v39 =	vmul.f32 v36, v25;
	v29 =	vadd.f32 v37, v29;
	v58 =	vmul.f32 v16, v16  }
0x65: {  	v19 =	vld [tilespmem:s3+$0x50];
	v38 =	vmul.f32 v35, v21;
	v24 =	vmul.f32 v35, v24  }
0x66: {  	v60 =	vmul.f32 v36, v39;
	v61 =	vmul.f32 v17, v17;
	v29 =	vadd.f32 v58, v29  }
0x67: {  	v21 =	vld [tilespmem:s3+$0x60];
	v59 =	vmul.f32 v35, v23;
	v26 =	vmul.f32 v35, v26;
	[tilespmem:s5+$0x4070] =	vst v38  }
0x68: {  	v23 =	vld [tilespmem:s3+$0x70];
	[tilespmem:s5+$0x4010] =	vst v24;
	v62 =	vmul.f32 v18, v18;
	v24 =	vsub.f32 $1.500000000e+00, v60;
	v29 =	vadd.f32 v61, v29  }
0x69: {  	v63 =	vmul.f32 v35, v27;
	v27 =	vmul.f32 v35, v28;
	[tilespmem:s5+$0x4000] =	vst v59  }
0x6a: {  	s6 =	simm.s32 $0x200;
	[tilespmem:s5+$0x4020] =	vst v26;
	v28 =	vmul.f32 v19, v19;
	v26 =	vmul.f32 v36, v24;
	v29 =	vadd.f32 v62, v29  }
0x6b: {  	s7 =	simm.s32 $0xA00;
	v31 =	vmul.f32 v35, v30;
	v30 =	vmul.f32 v35, v32;
	v24 =	vld [tilespmem:s6+$0x0];
	[tilespmem:s5+$0x4030] =	vst v63  }
.LBB2_2:
0x6c: {  	p0 =	sne.s32 s7, $0xFE00;
	v32 =	vld [tilespmem:s6+$0x10];
	v28 =	vadd.f32 v28, v29;
	v36 =	vmul.f32 v21, v21;
	v25 =	vmul.f32 v26, v25;
	[tilespmem:s5+$0x4040] =	vst v27  }
0x6d: {  	v34 =	vmov v4;
	v4 =	vmov v17;
	v27 =	vmul.f32 v23, v23;
	v33, _, _ =	vpop (xrf2);
	[tilespmem:s5+$0x4050] =	vst v31  }
0x6e: {  	v29 =	vmovc v5;
	v35 =	vld [tilespmem:s6+$0x20];
	v28 =	vadd.f32 v36, v28;
	v17 =	vmax.f32 v33, $1.000000020e-24;
	v25 =	vmul.f32 v25, v26;
	[tilespmem:s5+$0x4060] =	vst v30;
	s5 =	smov.u32 s31;
	s31 =	smov.u32 s0;
	s0 =	smov.u32 s3  }
0x6f: {  	v5 =	vmovc v8;
	v8 =	vmovc v18;
	v31 =	vmov v0;
	v0 =	vmov v13;
	s3 =	smov.u32 s6;
	v30 =	vbroadcast v17, $0xF  }
0x70: {  	v13 =	vmovc v19;
	v33 =	vmul.f32 v24, v24;
	v17 =	vld [tilespmem:s3+$0x30];
	v27 =	vadd.f32 v27, v28;
	v28 =	vsub.f32 $1.500000000e+00, v25;
	v36 =	vmovc v1  }
0x71: {  	v1 =	vmovc v10;
	v10 =	vmovc v21;
	v19 =	vmul.f32 v32, v32;
	v37 =	vshrl.u32 v30, $0x1;
	v25 =	vmul.f32 $5.000000000e-01, v30  }
0x72: {  	v21 =	vmovc v2;
	v2 =	vmov v24;
	v18 =	vld [tilespmem:s3+$0x40];
	(xrf2) =	vadd.scan.msk.f32 $0xffff, v27;
	v30 =	vsub.s32 $0x5F3759DF, v37;
	v37 =	vmul.f32 v28, v26  }
0x73: {  	v24 =	vadd.f32 v19, v33;
	v26 =	vmul.f32 v35, v35;
	v27 =	vmul.f32 v30, v25  }
0x74: {  	v19 =	vld [tilespmem:s3+$0x50];
	v28 =	vmul.f32 v37, v6;
	v33 =	vmul.f32 v37, v22;
	v22 =	vmovc v20;
	v20 =	vmovc v23;
	v6 =	vmov v11  }
0x75: {  	v11 =	vmovc v21;
	v23 =	vadd.f32 v26, v24;
	v24 =	vmul.f32 v17, v17;
	v26 =	vmul.f32 v30, v27  }
.Ltmp0:
0x76: {  	v38 =	vmul.f32 v37, v14;
	v27 =	vmul.f32 v37, v3;
	v3 =	vmovc v9;
	v9 =	vmov v12;
	v21 =	vld [tilespmem:s3+$0x60];
	[tilespmem:s5+$0x4070] =	vst v33;
	(pc) =	sbr.rel @p0 .LBB2_2-.Ltmp0, $4  }
0x77: {  	v12 =	vmovc v32;
	v24 =	vadd.f32 v24, v23;
	v33 =	vmul.f32 v18, v18;
	v23 =	vld [tilespmem:s3+$0x70];
	v26 =	vsub.f32 $1.500000000e+00, v26;
	[tilespmem:s5+$0x4000] =	vst v28  }
0x78: {  	v14 =	vmovc v7;
	v7 =	vmov v16;
	v32 =	vmul.f32 v37, v15;
	[tilespmem:s5+$0x4010] =	vst v27;
	v27 =	vmul.f32 v37, v29  }
0x79: {  	s6 =	sshra.s32 s7, $0x2;
	v29 =	vadd.f32 v33, v24;
	v28 =	vmul.f32 v19, v19;
	v26 =	vmul.f32 v30, v26;
	[tilespmem:s5+$0x4020] =	vst v38  }
0x7a: {  	s7 =	sadd.s32 $0x200, s7;
	v31 =	vmul.f32 v37, v31;
	v16 =	vmovc v35;
	v15 =	vmov v34;
	v30 =	vmul.f32 v37, v36;
	v24 =	vld [tilespmem:s6+$0x0];
	[tilespmem:s5+$0x4030] =	vst v32  }
0x7b: {  	v32 =	vld [tilespmem:s6+$0x10];
	[tilespmem:s5+$0x4040] =	vst v27  }
0x7c: {  	v25 =	vmul.f32 v26, v25;
	[tilespmem:s5+$0x4050] =	vst v31  }
0x7d: {  	v27 =	vld [tilespmem:s6+$0x20]  }
0x7e: {  	v25 =	vmul.f32 v25, v26;
	[tilespmem:s5+$0x4060] =	vst v30  }
0x7f: {  	v30 =	vld [tilespmem:s6+$0x30]  }
0x80: {  	v31 =	vmul.f32 v24, v24;
	v25 =	vsub.f32 $1.500000000e+00, v25;
	v33 =	vmul.f32 v32, v32  }
0x81: {  	v28 =	vadd.f32 v28, v29;
	v29 =	vmul.f32 v21, v21;
	v34 =	vld [tilespmem:s6+$0x40]  }
0x82: {  	v25 =	vmul.f32 v25, v26;
	v26 =	vadd.f32 v33, v31;
	v31 =	vmul.f32 v27, v27  }
0x83: {  	v47 =	vmul.f32 v23, v23;
	v28 =	vadd.f32 v29, v28;
	v29 =	vld [tilespmem:s6+$0x50]  }
0x84: {  	v22 =	vmul.f32 v25, v22;
	v26 =	vadd.f32 v31, v26;
	v31 =	vmul.f32 v30, v30  }
0x85: {  	v35 =	vld [tilespmem:s6+$0x60];
	v28 =	vadd.f32 v47, v28  }
0x86: {  	[tilespmem:s31+$0x4070] =	vst v22;
	v22 =	vadd.f32 v31, v26;
	v26 =	vmul.f32 v34, v34  }
0x87: {  	v31 =	vld [tilespmem:s6+$0x70]  }
0x88: {  	(xrf2) =	vadd.scan.msk.f32 $0xffff, v28;
	v22 =	vadd.f32 v26, v22;
	v26 =	vmul.f32 v29, v29  }
0x89: {  	v28, _, _ =	vpop (xrf2)  }
0x8a: {  	v28 =	vmax.f32 v28, $1.000000020e-24;
	v22 =	vadd.f32 v26, v22;
	v26 =	vmul.f32 v35, v35  }
0x8b: {  	v28 =	vbroadcast v28, $0xF  }
0x8c: {  	v48 =	vmul.f32 v31, v31;
	v22 =	vadd.f32 v26, v22  }
0x8d: {  	v26 =	vshrl.u32 v28, $0x1;
	v28 =	vmul.f32 $5.000000000e-01, v28  }
0x8e: {  	v26 =	vsub.s32 $0x5F3759DF, v26;
	v22 =	vadd.f32 v48, v22  }
0x8f: {  	v49 =	vmul.f32 v26, v28  }
0x90: {  	(xrf2) =	vadd.scan.msk.f32 $0xffff, v22  }
0x91: {  	v22 =	vmul.f32 v26, v49  }
0x92: {  	v50, _, _ =	vpop (xrf2)  }
0x93: {  	v33 =	vmax.f32 v50, $1.000000020e-24;
	v22 =	vsub.f32 $1.500000000e+00, v22  }
0x94: {  	v33 =	vbroadcast v33, $0xF  }
0x95: {  	v22 =	vmul.f32 v26, v22  }
0x96: {  	v26 =	vshrl.u32 v33, $0x1;
	v33 =	vmul.f32 $5.000000000e-01, v33  }
0x97: {  	v26 =	vsub.s32 $0x5F3759DF, v26;
	v28 =	vmul.f32 v22, v28  }
0x98: {  	v6 =	vmul.f32 v25, v6;
	v36 =	vmul.f32 v26, v33  }
0x99: {  	v3 =	vmul.f32 v25, v3;
	v28 =	vmul.f32 v28, v22  }
0x9a: {  	v14 =	vmul.f32 v25, v14;
	v36 =	vmul.f32 v26, v36;
	v37, _, _ =	vpop (xrf2)  }
0x9b: {  	[tilespmem:s31+$0x4000] =	vst v6;
	v6 =	vmul.f32 v25, v15;
	v15 =	vsub.f32 $1.500000000e+00, v28;
	v28 =	vmax.f32 v37, $1.000000020e-24  }
0x9c: {  	[tilespmem:s31+$0x4010] =	vst v3;
	v3 =	vmul.f32 v25, v5;
	v5 =	vsub.f32 $1.500000000e+00, v36;
	v28 =	vbroadcast v28, $0xF  }
0x9d: {  	v0 =	vmul.f32 v25, v0;
	[tilespmem:s31+$0x4020] =	vst v14;
	v14 =	vmul.f32 v15, v22  }
0x9e: {  	[tilespmem:s31+$0x4030] =	vst v6;
	v5 =	vmul.f32 v26, v5;
	v6 =	vshrl.u32 v28, $0x1;
	v15 =	vmul.f32 $5.000000000e-01, v28  }
0x9f: {  	v1 =	vmul.f32 v25, v1;
	[tilespmem:s31+$0x4040] =	vst v3;
	v3 =	vmul.f32 v14, v20;
	v6 =	vsub.s32 $0x5F3759DF, v6  }
0xa0: {  	[tilespmem:s31+$0x4050] =	vst v0;
	v0 =	vmul.f32 v5, v33;
	v20 =	vmul.f32 v6, v15  }
0xa1: {  	[tilespmem:s31+$0x4060] =	vst v1;
	v1 =	vmul.f32 v14, v11;
	v9 =	vmul.f32 v14, v9  }
0xa2: {  	[tilespmem:s0+$0x4070] =	vst v3;
	v0 =	vmul.f32 v0, v5;
	v3 =	vmul.f32 v6, v20  }
0xa3: {  	v7 =	vmul.f32 v14, v7;
	[tilespmem:s0+$0x4000] =	vst v1  }
0xa4: {  	[tilespmem:s0+$0x4010] =	vst v9;
	v1 =	vmul.f32 v14, v4;
	v0 =	vsub.f32 $1.500000000e+00, v0;
	v3 =	vsub.f32 $1.500000000e+00, v3  }
0xa5: {  	v4 =	vmul.f32 v14, v8;
	[tilespmem:s0+$0x4020] =	vst v7;
	v7 =	vmul.f32 v14, v13  }
0xa6: {  	[tilespmem:s0+$0x4030] =	vst v1;
	v0 =	vmul.f32 v0, v5;
	v1 =	vmul.f32 v6, v3  }
0xa7: {  	[tilespmem:s0+$0x4040] =	vst v4;
	v3 =	vmul.f32 v14, v10  }
0xa8: {  	[tilespmem:s0+$0x4050] =	vst v7;
	v4 =	vmul.f32 v0, v23;
	v5 =	vmul.f32 v1, v15  }
0xa9: {  	v2 =	vmul.f32 v0, v2;
	[tilespmem:s0+$0x4060] =	vst v3  }
0xaa: {  	v3 =	vmul.f32 v0, v12;
	[tilespmem:s3+$0x4070] =	vst v4;
	v4 =	vmul.f32 v5, v1  }
0xab: {  	[tilespmem:s3+$0x4000] =	vst v2;
	v2 =	vmul.f32 v0, v17  }
0xac: {  	v5 =	vmul.f32 v0, v16;
	[tilespmem:s3+$0x4010] =	vst v3;
	v3 =	vsub.f32 $1.500000000e+00, v4  }
0xad: {  	[tilespmem:s3+$0x4030] =	vst v2;
	v2 =	vmul.f32 v0, v19  }
0xae: {  	v4 =	vmul.f32 v0, v18;
	[tilespmem:s3+$0x4020] =	vst v5;
	v1 =	vmul.f32 v3, v1  }
0xaf: {  	v0 =	vmul.f32 v0, v21;
	[tilespmem:s3+$0x4050] =	vst v2  }
0xb0: {  	[tilespmem:s3+$0x4040] =	vst v4;
	v2 =	vmul.f32 v1, v31  }
0xb1: {  	[tilespmem:s3+$0x4060] =	vst v0;
	v0 =	vmul.f32 v1, v24  }
0xb2: {  	v3 =	vmul.f32 v1, v32;
	[tilespmem:s6+$0x4070] =	vst v2  }
0xb3: {  	v2 =	vmul.f32 v1, v27;
	[tilespmem:s6+$0x4000] =	vst v0  }
0xb4: {  	[tilespmem:s6+$0x4010] =	vst v3;
	v0 =	vmul.f32 v1, v30  }
0xb5: {  	v3 =	vmul.f32 v1, v34;
	[tilespmem:s6+$0x4020] =	vst v2  }
0xb6: {  	[tilespmem:s6+$0x4030] =	vst v0;
	v0 =	vmul.f32 v1, v29  }
0xb7: {  	v1 =	vmul.f32 v1, v35;
	[tilespmem:s6+$0x4040] =	vst v3  }
0xb8: {  	[tilespmem:s6+$0x4050] =	vst v0  }
0xb9: {  	[tilespmem:s6+$0x4060] =	vst v1  }
0xba: {  	[spmem:s1] =	stream.indirect.scatter.add.f32 [tilespmem:s26], [sflag:$0x1], $0x80, s24, s25, $0xb8;
	[tilespmem:$0xE480] =	vst v63  }
0xbb: {  	_ =	swait.ge [sflag:s22], $0x4000  }
0xbc: {  	[sflag:s22] =	ssyncset.done $0x0  }
0xbd: {  	[sflag:s22] =	ssyncadd.s32 $0xFFFFC000  }
0xbe: {  	[spmem:s2] =	stream.indirect.scatter.add.f32 [tilespmem:s23], [sflag:$0x1], $0x10, s24, s25, $0xb8;
	[tilespmem:$0xE480] =	vst v63  }
0xbf: {  	_ =	swait.ge [sflag:s22], $0x800  }
0xc0: {  	[sflag:s22] =	ssyncset.done $0x0  }
0xc1: {  	s7 =	simm.s32 $0x0;
	[sflag:s22] =	ssyncadd.s32 $0xFFFFF800  }
0xc2: {  	[tilespmem:s7], [sflag:$0x1] =	stream.linear.gather [hbm4b:s13+s7], $0x4000, $0x38;
	[tilespmem:$0xE480] =	vst v63  }
0xc3: {  	_ =	swait.ge [sflag:s22], $0x4000  }
0xc4: {  	[sflag:s22] =	ssyncset.done $0x0  }
0xc5: {  	[sflag:s22] =	ssyncadd.s32 $0xFFFFC000  }
0xc6: {  	[tilespmem:s24], [sflag:$0x1] =	stream.linear.gather [hbm4b:s14+s7], $0x80, $0x38;
	[tilespmem:$0xE480] =	vst v63  }
0xc7: {  	_ =	swait.ge [sflag:s22], $0x80  }
0xc8: {  	[sflag:s22] =	ssyncset.done $0x0  }
0xc9: {  	s5 =	simm.s32 $0x0;
	[sflag:s22] =	ssyncadd.s32 $0xFFFFFF80  }
0xca: {  	v23 =	vld [tilespmem:s5+$0x0]  }
0xcb: {  	v24 =	vld [tilespmem:s5+$0x10];
	_ =	sdelay $0x1  }
0xcc: {  	v26 =	vld [tilespmem:s5+$0x20];
	_ =	sdelay $0x1  }
0xcd: {  	v27 =	vld [tilespmem:s5+$0x30]  }
0xce: {  	v0 =	vmul.f32 v23, v23;
	v1 =	vmul.f32 v24, v24  }
0xcf: {  	v28 =	vld [tilespmem:s5+$0x40]  }
0xd0: {  	v0 =	vadd.f32 v1, v0;
	v1 =	vmul.f32 v26, v26  }
0xd1: {  	v30 =	vld [tilespmem:s5+$0x50]  }
0xd2: {  	v0 =	vadd.f32 v1, v0;
	v1 =	vmul.f32 v27, v27  }
0xd3: {  	v51 =	vld [tilespmem:s5+$0x60]  }
0xd4: {  	v0 =	vadd.f32 v1, v0;
	v1 =	vmul.f32 v28, v28  }
0xd5: {  	v21 =	vld [tilespmem:s5+$0x70]  }
0xd6: {  	v0 =	vadd.f32 v1, v0;
	v1 =	vmul.f32 v30, v30;
	_ =	sdelay $0x1  }
0xd7: {  	s31 =	simm.s32 $0x80;
	v0 =	vadd.f32 v1, v0;
	v1 =	vmul.f32 v51, v51  }
0xd8: {  	v6 =	vld [tilespmem:s31+$0x0]  }
0xd9: {  	v3 =	vld [tilespmem:s31+$0x10];
	v2 =	vmul.f32 v21, v21;
	v0 =	vadd.f32 v1, v0;
	_ =	sdelay $0x1  }
0xda: {  	v14 =	vld [tilespmem:s31+$0x20];
	v0 =	vadd.f32 v2, v0;
	_ =	sdelay $0x1  }
0xdb: {  	v15 =	vld [tilespmem:s31+$0x30];
	(xrf2) =	vadd.scan.msk.f32 $0xffff, v0  }
0xdc: {  	v1 =	vmul.f32 v3, v3;
	v0 =	vmul.f32 v6, v6  }
0xdd: {  	v5 =	vld [tilespmem:s31+$0x40]  }
0xde: {  	v2 =	vmul.f32 v14, v14;
	v1 =	vadd.f32 v1, v0  }
0xdf: {  	v0 =	vld [tilespmem:s31+$0x50]  }
0xe0: {  	v4 =	vmul.f32 v15, v15;
	v2 =	vadd.f32 v2, v1  }
0xe1: {  	v1 =	vld [tilespmem:s31+$0x60]  }
0xe2: {  	v2 =	vadd.f32 v4, v2;
	v4 =	vmul.f32 v5, v5  }
0xe3: {  	v22 =	vld [tilespmem:s31+$0x70]  }
0xe4: {  	v2 =	vadd.f32 v4, v2;
	v4 =	vmul.f32 v0, v0  }
0xe5: {  	v7, _, _ =	vpop (xrf2)  }
0xe6: {  	v2 =	vadd.f32 v4, v2;
	v4 =	vmul.f32 v1, v1;
	v7 =	vmax.f32 v7, $1.000000020e-24  }
0xe7: {  	v7 =	vbroadcast v7, $0xF  }
0xe8: {  	v8 =	vmul.f32 v22, v22;
	v2 =	vadd.f32 v4, v2  }
0xe9: {  	s0 =	simm.s32 $0x100;
	v4 =	vshrl.u32 v7, $0x1;
	v10 =	vmul.f32 $5.000000000e-01, v7  }
0xea: {  	v11 =	vld [tilespmem:s0+$0x0];
	v2 =	vadd.f32 v8, v2;
	v8 =	vsub.s32 $0x5F3759DF, v4  }
0xeb: {  	v9 =	vld [tilespmem:s0+$0x10];
	v4 =	vmul.f32 v8, v10;
	_ =	sdelay $0x1  }
0xec: {  	v7 =	vld [tilespmem:s0+$0x20];
	(xrf2) =	vadd.scan.msk.f32 $0xffff, v2;
	v2 =	vmul.f32 v8, v4;
	_ =	sdelay $0x1  }
0xed: {  	v4 =	vld [tilespmem:s0+$0x30];
	v2 =	vsub.f32 $1.500000000e+00, v2  }
0xee: {  	v12 =	vmul.f32 v11, v11;
	v13 =	vmul.f32 v9, v9  }
0xef: {  	v18 =	vmul.f32 v8, v2;
	v8 =	vld [tilespmem:s0+$0x40]  }
0xf0: {  	v2 =	vadd.f32 v13, v12;
	v12 =	vmul.f32 v7, v7  }
0xf1: {  	v13 =	vld [tilespmem:s0+$0x50]  }
0xf2: {  	v17 =	vmul.f32 v4, v4;
	v12 =	vadd.f32 v12, v2  }
0xf3: {  	v16 =	vmul.f32 v18, v10;
	v10 =	vld [tilespmem:s0+$0x60]  }
0xf4: {  	v20 =	vld [tilespmem:s0+$0x70];
	v17 =	vadd.f32 v17, v12;
	v25 =	vmul.f32 v8, v8;
	_ =	sdelay $0x1  }
0xf5: {  	s3 =	simm.s32 $0x180;
	v31 =	vmul.f32 v13, v13;
	v52 =	vadd.f32 v25, v17  }
0xf6: {  	v2 =	vld [tilespmem:s3+$0x0]  }
0xf7: {  	v16 =	vmul.f32 v16, v18;
	v12 =	vld [tilespmem:s3+$0x10];
	v53 =	vmul.f32 v10, v10;
	v31 =	vadd.f32 v31, v52  }
0xf8: {  	v57 =	vmul.f32 v20, v20;
	v19, _, _ =	vpop (xrf2)  }
0xf9: {  	v19 =	vmax.f32 v19, $1.000000020e-24;
	v29 =	vsub.f32 $1.500000000e+00, v16;
	v16 =	vld [tilespmem:s3+$0x20];
	v31 =	vadd.f32 v53, v31  }
0xfa: {  	v19 =	vbroadcast v19, $0xF  }
0xfb: {  	v17 =	vld [tilespmem:s3+$0x30];
	v54 =	vmul.f32 v29, v18;
	v29 =	vmul.f32 v2, v2;
	v31 =	vadd.f32 v57, v31  }
0xfc: {  	v55 =	vshrl.u32 v19, $0x1;
	v25 =	vmul.f32 $5.000000000e-01, v19;
	v56 =	vmul.f32 v12, v12  }
0xfd: {  	v18 =	vld [tilespmem:s3+$0x40];
	v36 =	vsub.s32 $0x5F3759DF, v55;
	(xrf2) =	vadd.scan.msk.f32 $0xffff, v31  }
0xfe: {  	v39 =	vmul.f32 v36, v25;
	v29 =	vadd.f32 v56, v29;
	v58 =	vmul.f32 v16, v16  }
0xff: {  	v19 =	vld [tilespmem:s3+$0x50];
	v38 =	vmul.f32 v54, v21;
	v24 =	vmul.f32 v54, v24  }
0x100: {  	v60 =	vmul.f32 v36, v39;
	v61 =	vmul.f32 v17, v17;
	v29 =	vadd.f32 v58, v29  }
0x101: {  	v21 =	vld [tilespmem:s3+$0x60];
	v59 =	vmul.f32 v54, v23;
	v26 =	vmul.f32 v54, v26;
	[tilespmem:s5+$0x4070] =	vst v38  }
0x102: {  	v23 =	vld [tilespmem:s3+$0x70];
	[tilespmem:s5+$0x4010] =	vst v24;
	v62 =	vmul.f32 v18, v18;
	v24 =	vsub.f32 $1.500000000e+00, v60;
	v29 =	vadd.f32 v61, v29  }
0x103: {  	v63 =	vmul.f32 v54, v27;
	v27 =	vmul.f32 v54, v28;
	[tilespmem:s5+$0x4000] =	vst v59  }
0x104: {  	s6 =	simm.s32 $0x200;
	[tilespmem:s5+$0x4020] =	vst v26;
	v28 =	vmul.f32 v19, v19;
	v26 =	vmul.f32 v36, v24;
	v29 =	vadd.f32 v62, v29  }
0x105: {  	s7 =	simm.s32 $0xA00;
	v31 =	vmul.f32 v54, v30;
	v30 =	vmul.f32 v54, v51;
	v24 =	vld [tilespmem:s6+$0x0];
	[tilespmem:s5+$0x4030] =	vst v63  }
.LBB2_4:
0x106: {  	p0 =	sne.s32 s7, $0xFE00;
	v32 =	vld [tilespmem:s6+$0x10];
	v28 =	vadd.f32 v28, v29;
	v36 =	vmul.f32 v21, v21;
	v25 =	vmul.f32 v26, v25;
	[tilespmem:s5+$0x4040] =	vst v27  }
0x107: {  	v34 =	vmov v4;
	v4 =	vmov v17;
	v27 =	vmul.f32 v23, v23;
	v33, _, _ =	vpop (xrf2);
	[tilespmem:s5+$0x4050] =	vst v31  }
0x108: {  	v29 =	vmovc v5;
	v35 =	vld [tilespmem:s6+$0x20];
	v28 =	vadd.f32 v36, v28;
	v17 =	vmax.f32 v33, $1.000000020e-24;
	v25 =	vmul.f32 v25, v26;
	[tilespmem:s5+$0x4060] =	vst v30;
	s5 =	smov.u32 s31;
	s31 =	smov.u32 s0;
	s0 =	smov.u32 s3  }
0x109: {  	v5 =	vmovc v8;
	v8 =	vmovc v18;
	v31 =	vmov v0;
	v0 =	vmov v13;
	s3 =	smov.u32 s6;
	v30 =	vbroadcast v17, $0xF  }
0x10a: {  	v13 =	vmovc v19;
	v33 =	vmul.f32 v24, v24;
	v17 =	vld [tilespmem:s3+$0x30];
	v27 =	vadd.f32 v27, v28;
	v28 =	vsub.f32 $1.500000000e+00, v25;
	v36 =	vmovc v1  }
0x10b: {  	v1 =	vmovc v10;
	v10 =	vmovc v21;
	v19 =	vmul.f32 v32, v32;
	v37 =	vshrl.u32 v30, $0x1;
	v25 =	vmul.f32 $5.000000000e-01, v30  }
0x10c: {  	v21 =	vmovc v2;
	v2 =	vmov v24;
	v18 =	vld [tilespmem:s3+$0x40];
	(xrf2) =	vadd.scan.msk.f32 $0xffff, v27;
	v30 =	vsub.s32 $0x5F3759DF, v37;
	v37 =	vmul.f32 v28, v26  }
0x10d: {  	v24 =	vadd.f32 v19, v33;
	v26 =	vmul.f32 v35, v35;
	v27 =	vmul.f32 v30, v25  }
0x10e: {  	v19 =	vld [tilespmem:s3+$0x50];
	v28 =	vmul.f32 v37, v6;
	v33 =	vmul.f32 v37, v22;
	v22 =	vmovc v20;
	v20 =	vmovc v23;
	v6 =	vmov v11  }
0x10f: {  	v11 =	vmovc v21;
	v23 =	vadd.f32 v26, v24;
	v24 =	vmul.f32 v17, v17;
	v26 =	vmul.f32 v30, v27  }
.Ltmp1:
0x110: {  	v38 =	vmul.f32 v37, v14;
	v27 =	vmul.f32 v37, v3;
	v3 =	vmovc v9;
	v9 =	vmov v12;
	v21 =	vld [tilespmem:s3+$0x60];
	[tilespmem:s5+$0x4070] =	vst v33;
	(pc) =	sbr.rel @p0 .LBB2_4-.Ltmp1, $4  }
0x111: {  	v12 =	vmovc v32;
	v24 =	vadd.f32 v24, v23;
	v33 =	vmul.f32 v18, v18;
	v23 =	vld [tilespmem:s3+$0x70];
	v26 =	vsub.f32 $1.500000000e+00, v26;
	[tilespmem:s5+$0x4000] =	vst v28  }
0x112: {  	v14 =	vmovc v7;
	v7 =	vmov v16;
	v32 =	vmul.f32 v37, v15;
	[tilespmem:s5+$0x4010] =	vst v27;
	v27 =	vmul.f32 v37, v29  }
0x113: {  	s6 =	sshra.s32 s7, $0x2;
	v29 =	vadd.f32 v33, v24;
	v28 =	vmul.f32 v19, v19;
	v26 =	vmul.f32 v30, v26;
	[tilespmem:s5+$0x4020] =	vst v38  }
0x114: {  	s7 =	sadd.s32 $0x200, s7;
	v31 =	vmul.f32 v37, v31;
	v16 =	vmovc v35;
	v15 =	vmov v34;
	v30 =	vmul.f32 v37, v36;
	v24 =	vld [tilespmem:s6+$0x0];
	[tilespmem:s5+$0x4030] =	vst v32  }
0x115: {  	v32 =	vld [tilespmem:s6+$0x10];
	[tilespmem:s5+$0x4040] =	vst v27  }
0x116: {  	v25 =	vmul.f32 v26, v25;
	[tilespmem:s5+$0x4050] =	vst v31  }
0x117: {  	v27 =	vld [tilespmem:s6+$0x20]  }
0x118: {  	v25 =	vmul.f32 v25, v26;
	[tilespmem:s5+$0x4060] =	vst v30  }
0x119: {  	v30 =	vld [tilespmem:s6+$0x30]  }
0x11a: {  	v31 =	vmul.f32 v24, v24;
	v25 =	vsub.f32 $1.500000000e+00, v25;
	v33 =	vmul.f32 v32, v32  }
0x11b: {  	v28 =	vadd.f32 v28, v29;
	v29 =	vmul.f32 v21, v21;
	v34 =	vld [tilespmem:s6+$0x40]  }
0x11c: {  	v25 =	vmul.f32 v25, v26;
	v26 =	vadd.f32 v33, v31;
	v31 =	vmul.f32 v27, v27  }
0x11d: {  	v47 =	vmul.f32 v23, v23;
	v28 =	vadd.f32 v29, v28;
	v29 =	vld [tilespmem:s6+$0x50]  }
0x11e: {  	v22 =	vmul.f32 v25, v22;
	v26 =	vadd.f32 v31, v26;
	v31 =	vmul.f32 v30, v30  }
0x11f: {  	v35 =	vld [tilespmem:s6+$0x60];
	v28 =	vadd.f32 v47, v28  }
0x120: {  	[tilespmem:s31+$0x4070] =	vst v22;
	v22 =	vadd.f32 v31, v26;
	v26 =	vmul.f32 v34, v34  }
0x121: {  	v31 =	vld [tilespmem:s6+$0x70]  }
0x122: {  	(xrf2) =	vadd.scan.msk.f32 $0xffff, v28;
	v22 =	vadd.f32 v26, v22;
	v26 =	vmul.f32 v29, v29  }
0x123: {  	v28, _, _ =	vpop (xrf2)  }
0x124: {  	v28 =	vmax.f32 v28, $1.000000020e-24;
	v22 =	vadd.f32 v26, v22;
	v26 =	vmul.f32 v35, v35  }
0x125: {  	v28 =	vbroadcast v28, $0xF  }
0x126: {  	v48 =	vmul.f32 v31, v31;
	v22 =	vadd.f32 v26, v22  }
0x127: {  	v26 =	vshrl.u32 v28, $0x1;
	v28 =	vmul.f32 $5.000000000e-01, v28  }
0x128: {  	v26 =	vsub.s32 $0x5F3759DF, v26;
	v22 =	vadd.f32 v48, v22  }
0x129: {  	v49 =	vmul.f32 v26, v28  }
0x12a: {  	(xrf2) =	vadd.scan.msk.f32 $0xffff, v22  }
0x12b: {  	v22 =	vmul.f32 v26, v49  }
0x12c: {  	v50, _, _ =	vpop (xrf2)  }
0x12d: {  	v33 =	vmax.f32 v50, $1.000000020e-24;
	v22 =	vsub.f32 $1.500000000e+00, v22  }
0x12e: {  	v33 =	vbroadcast v33, $0xF  }
0x12f: {  	v22 =	vmul.f32 v26, v22  }
0x130: {  	v26 =	vshrl.u32 v33, $0x1;
	v33 =	vmul.f32 $5.000000000e-01, v33  }
0x131: {  	v26 =	vsub.s32 $0x5F3759DF, v26;
	v28 =	vmul.f32 v22, v28  }
0x132: {  	v6 =	vmul.f32 v25, v6;
	v36 =	vmul.f32 v26, v33  }
0x133: {  	v3 =	vmul.f32 v25, v3;
	v28 =	vmul.f32 v28, v22  }
0x134: {  	v14 =	vmul.f32 v25, v14;
	v36 =	vmul.f32 v26, v36;
	v37, _, _ =	vpop (xrf2)  }
0x135: {  	[tilespmem:s31+$0x4000] =	vst v6;
	v6 =	vmul.f32 v25, v15;
	v15 =	vsub.f32 $1.500000000e+00, v28;
	v28 =	vmax.f32 v37, $1.000000020e-24  }
0x136: {  	[tilespmem:s31+$0x4010] =	vst v3;
	v3 =	vmul.f32 v25, v5;
	v5 =	vsub.f32 $1.500000000e+00, v36;
	v28 =	vbroadcast v28, $0xF  }
0x137: {  	v0 =	vmul.f32 v25, v0;
	[tilespmem:s31+$0x4020] =	vst v14;
	v14 =	vmul.f32 v15, v22  }
0x138: {  	[tilespmem:s31+$0x4030] =	vst v6;
	v5 =	vmul.f32 v26, v5;
	v6 =	vshrl.u32 v28, $0x1;
	v15 =	vmul.f32 $5.000000000e-01, v28  }
0x139: {  	v1 =	vmul.f32 v25, v1;
	[tilespmem:s31+$0x4040] =	vst v3;
	v3 =	vmul.f32 v14, v20;
	v6 =	vsub.s32 $0x5F3759DF, v6  }
0x13a: {  	[tilespmem:s31+$0x4050] =	vst v0;
	v0 =	vmul.f32 v5, v33;
	v20 =	vmul.f32 v6, v15  }
0x13b: {  	[tilespmem:s31+$0x4060] =	vst v1;
	v1 =	vmul.f32 v14, v11;
	v9 =	vmul.f32 v14, v9  }
0x13c: {  	[tilespmem:s0+$0x4070] =	vst v3;
	v0 =	vmul.f32 v0, v5;
	v3 =	vmul.f32 v6, v20  }
0x13d: {  	v7 =	vmul.f32 v14, v7;
	[tilespmem:s0+$0x4000] =	vst v1  }
0x13e: {  	[tilespmem:s0+$0x4010] =	vst v9;
	v1 =	vmul.f32 v14, v4;
	v0 =	vsub.f32 $1.500000000e+00, v0;
	v3 =	vsub.f32 $1.500000000e+00, v3  }
0x13f: {  	v4 =	vmul.f32 v14, v8;
	[tilespmem:s0+$0x4020] =	vst v7;
	v7 =	vmul.f32 v14, v13  }
0x140: {  	[tilespmem:s0+$0x4030] =	vst v1;
	v0 =	vmul.f32 v0, v5;
	v1 =	vmul.f32 v6, v3  }
0x141: {  	[tilespmem:s0+$0x4040] =	vst v4;
	v3 =	vmul.f32 v14, v10  }
0x142: {  	[tilespmem:s0+$0x4050] =	vst v7;
	v4 =	vmul.f32 v0, v23;
	v5 =	vmul.f32 v1, v15  }
0x143: {  	v2 =	vmul.f32 v0, v2;
	[tilespmem:s0+$0x4060] =	vst v3  }
0x144: {  	v3 =	vmul.f32 v0, v12;
	[tilespmem:s3+$0x4070] =	vst v4;
	v4 =	vmul.f32 v5, v1  }
0x145: {  	[tilespmem:s3+$0x4000] =	vst v2;
	v2 =	vmul.f32 v0, v17  }
0x146: {  	v5 =	vmul.f32 v0, v16;
	[tilespmem:s3+$0x4010] =	vst v3;
	v3 =	vsub.f32 $1.500000000e+00, v4  }
0x147: {  	[tilespmem:s3+$0x4030] =	vst v2;
	v2 =	vmul.f32 v0, v19  }
0x148: {  	v4 =	vmul.f32 v0, v18;
	[tilespmem:s3+$0x4020] =	vst v5;
	v1 =	vmul.f32 v3, v1  }
0x149: {  	v0 =	vmul.f32 v0, v21;
	[tilespmem:s3+$0x4050] =	vst v2  }
0x14a: {  	[tilespmem:s3+$0x4040] =	vst v4;
	v2 =	vmul.f32 v1, v31  }
0x14b: {  	[tilespmem:s3+$0x4060] =	vst v0;
	v0 =	vmul.f32 v1, v24  }
0x14c: {  	v3 =	vmul.f32 v1, v32;
	[tilespmem:s6+$0x4070] =	vst v2  }
0x14d: {  	v2 =	vmul.f32 v1, v27;
	[tilespmem:s6+$0x4000] =	vst v0  }
0x14e: {  	[tilespmem:s6+$0x4010] =	vst v3;
	v0 =	vmul.f32 v1, v30  }
0x14f: {  	v3 =	vmul.f32 v1, v34;
	[tilespmem:s6+$0x4020] =	vst v2  }
0x150: {  	[tilespmem:s6+$0x4030] =	vst v0;
	v0 =	vmul.f32 v1, v29  }
0x151: {  	v1 =	vmul.f32 v1, v35;
	[tilespmem:s6+$0x4040] =	vst v3  }
0x152: {  	[tilespmem:s6+$0x4050] =	vst v0  }
0x153: {  	[tilespmem:s6+$0x4060] =	vst v1  }
0x154: {  	[spmem:s1] =	stream.indirect.scatter.add.f32 [tilespmem:s26], [sflag:$0x1], $0x80, s24, s25, $0xb8;
	[tilespmem:$0xE480] =	vst v63  }
0x155: {  	_ =	swait.ge [sflag:s22], $0x4000  }
0x156: {  	[sflag:s22] =	ssyncset.done $0x0  }
0x157: {  	[sflag:s22] =	ssyncadd.s32 $0xFFFFC000  }
0x158: {  	[spmem:s2] =	stream.indirect.scatter.add.f32 [tilespmem:s23], [sflag:$0x1], $0x10, s24, s25, $0xb8;
	[tilespmem:$0xE480] =	vst v63  }
0x159: {  	_ =	swait.ge [sflag:s22], $0x800  }
0x15a: {  	[sflag:s22] =	ssyncset.done $0x0  }
0x15b: {  	s7 =	simm.s32 $0x0;
	[sflag:s22] =	ssyncadd.s32 $0xFFFFF800  }
0x15c: {  	[tilespmem:s7], [sflag:$0x1] =	stream.linear.gather [hbm4b:s15+s7], $0x4000, $0x38;
	[tilespmem:$0xE480] =	vst v63  }
0x15d: {  	_ =	swait.ge [sflag:s22], $0x4000  }
0x15e: {  	[sflag:s22] =	ssyncset.done $0x0  }
0x15f: {  	[sflag:s22] =	ssyncadd.s32 $0xFFFFC000  }
0x160: {  	[tilespmem:s24], [sflag:$0x1] =	stream.linear.gather [hbm4b:s16+s7], $0x80, $0x38;
	[tilespmem:$0xE480] =	vst v63  }
0x161: {  	_ =	swait.ge [sflag:s22], $0x80  }
0x162: {  	[sflag:s22] =	ssyncset.done $0x0  }
0x163: {  	s5 =	simm.s32 $0x0;
	[sflag:s22] =	ssyncadd.s32 $0xFFFFFF80  }
0x164: {  	v23 =	vld [tilespmem:s5+$0x0]  }
0x165: {  	v24 =	vld [tilespmem:s5+$0x10];
	_ =	sdelay $0x1  }
0x166: {  	v26 =	vld [tilespmem:s5+$0x20];
	_ =	sdelay $0x1  }
0x167: {  	v27 =	vld [tilespmem:s5+$0x30]  }
0x168: {  	v0 =	vmul.f32 v23, v23;
	v1 =	vmul.f32 v24, v24  }
0x169: {  	v28 =	vld [tilespmem:s5+$0x40]  }
0x16a: {  	v0 =	vadd.f32 v1, v0;
	v1 =	vmul.f32 v26, v26  }
0x16b: {  	v30 =	vld [tilespmem:s5+$0x50]  }
0x16c: {  	v0 =	vadd.f32 v1, v0;
	v1 =	vmul.f32 v27, v27  }
0x16d: {  	v51 =	vld [tilespmem:s5+$0x60]  }
0x16e: {  	v0 =	vadd.f32 v1, v0;
	v1 =	vmul.f32 v28, v28  }
0x16f: {  	v21 =	vld [tilespmem:s5+$0x70]  }
0x170: {  	v0 =	vadd.f32 v1, v0;
	v1 =	vmul.f32 v30, v30;
	_ =	sdelay $0x1  }
0x171: {  	s31 =	simm.s32 $0x80;
	v0 =	vadd.f32 v1, v0;
	v1 =	vmul.f32 v51, v51  }
0x172: {  	v6 =	vld [tilespmem:s31+$0x0]  }
0x173: {  	v3 =	vld [tilespmem:s31+$0x10];
	v2 =	vmul.f32 v21, v21;
	v0 =	vadd.f32 v1, v0;
	_ =	sdelay $0x1  }
0x174: {  	v14 =	vld [tilespmem:s31+$0x20];
	v0 =	vadd.f32 v2, v0;
	_ =	sdelay $0x1  }
0x175: {  	v15 =	vld [tilespmem:s31+$0x30];
	(xrf2) =	vadd.scan.msk.f32 $0xffff, v0  }
0x176: {  	v1 =	vmul.f32 v3, v3;
	v0 =	vmul.f32 v6, v6  }
0x177: {  	v5 =	vld [tilespmem:s31+$0x40]  }
0x178: {  	v2 =	vmul.f32 v14, v14;
	v1 =	vadd.f32 v1, v0  }
0x179: {  	v0 =	vld [tilespmem:s31+$0x50]  }
0x17a: {  	v4 =	vmul.f32 v15, v15;
	v2 =	vadd.f32 v2, v1  }
0x17b: {  	v1 =	vld [tilespmem:s31+$0x60]  }
0x17c: {  	v2 =	vadd.f32 v4, v2;
	v4 =	vmul.f32 v5, v5  }
0x17d: {  	v22 =	vld [tilespmem:s31+$0x70]  }
0x17e: {  	v2 =	vadd.f32 v4, v2;
	v4 =	vmul.f32 v0, v0  }
0x17f: {  	v7, _, _ =	vpop (xrf2)  }
0x180: {  	v2 =	vadd.f32 v4, v2;
	v4 =	vmul.f32 v1, v1;
	v7 =	vmax.f32 v7, $1.000000020e-24  }
0x181: {  	v7 =	vbroadcast v7, $0xF  }
0x182: {  	v8 =	vmul.f32 v22, v22;
	v2 =	vadd.f32 v4, v2  }
0x183: {  	s0 =	simm.s32 $0x100;
	v4 =	vshrl.u32 v7, $0x1;
	v10 =	vmul.f32 $5.000000000e-01, v7  }
0x184: {  	v11 =	vld [tilespmem:s0+$0x0];
	v2 =	vadd.f32 v8, v2;
	v8 =	vsub.s32 $0x5F3759DF, v4  }
0x185: {  	v9 =	vld [tilespmem:s0+$0x10];
	v4 =	vmul.f32 v8, v10;
	_ =	sdelay $0x1  }
0x186: {  	v7 =	vld [tilespmem:s0+$0x20];
	(xrf2) =	vadd.scan.msk.f32 $0xffff, v2;
	v2 =	vmul.f32 v8, v4;
	_ =	sdelay $0x1  }
0x187: {  	v4 =	vld [tilespmem:s0+$0x30];
	v2 =	vsub.f32 $1.500000000e+00, v2  }
0x188: {  	v12 =	vmul.f32 v11, v11;
	v13 =	vmul.f32 v9, v9  }
0x189: {  	v18 =	vmul.f32 v8, v2;
	v8 =	vld [tilespmem:s0+$0x40]  }
0x18a: {  	v2 =	vadd.f32 v13, v12;
	v12 =	vmul.f32 v7, v7  }
0x18b: {  	v13 =	vld [tilespmem:s0+$0x50]  }
0x18c: {  	v17 =	vmul.f32 v4, v4;
	v12 =	vadd.f32 v12, v2  }
0x18d: {  	v16 =	vmul.f32 v18, v10;
	v10 =	vld [tilespmem:s0+$0x60]  }
0x18e: {  	v20 =	vld [tilespmem:s0+$0x70];
	v17 =	vadd.f32 v17, v12;
	v25 =	vmul.f32 v8, v8;
	_ =	sdelay $0x1  }
0x18f: {  	s3 =	simm.s32 $0x180;
	v31 =	vmul.f32 v13, v13;
	v52 =	vadd.f32 v25, v17  }
0x190: {  	v2 =	vld [tilespmem:s3+$0x0]  }
0x191: {  	v16 =	vmul.f32 v16, v18;
	v12 =	vld [tilespmem:s3+$0x10];
	v53 =	vmul.f32 v10, v10;
	v31 =	vadd.f32 v31, v52  }
0x192: {  	v57 =	vmul.f32 v20, v20;
	v19, _, _ =	vpop (xrf2)  }
0x193: {  	v19 =	vmax.f32 v19, $1.000000020e-24;
	v29 =	vsub.f32 $1.500000000e+00, v16;
	v16 =	vld [tilespmem:s3+$0x20];
	v31 =	vadd.f32 v53, v31  }
0x194: {  	v19 =	vbroadcast v19, $0xF  }
0x195: {  	v17 =	vld [tilespmem:s3+$0x30];
	v54 =	vmul.f32 v29, v18;
	v29 =	vmul.f32 v2, v2;
	v31 =	vadd.f32 v57, v31  }
0x196: {  	v55 =	vshrl.u32 v19, $0x1;
	v25 =	vmul.f32 $5.000000000e-01, v19;
	v56 =	vmul.f32 v12, v12  }
0x197: {  	v18 =	vld [tilespmem:s3+$0x40];
	v36 =	vsub.s32 $0x5F3759DF, v55;
	(xrf2) =	vadd.scan.msk.f32 $0xffff, v31  }
0x198: {  	v39 =	vmul.f32 v36, v25;
	v29 =	vadd.f32 v56, v29;
	v58 =	vmul.f32 v16, v16  }
0x199: {  	v19 =	vld [tilespmem:s3+$0x50];
	v38 =	vmul.f32 v54, v21;
	v24 =	vmul.f32 v54, v24  }
0x19a: {  	v60 =	vmul.f32 v36, v39;
	v61 =	vmul.f32 v17, v17;
	v29 =	vadd.f32 v58, v29  }
0x19b: {  	v21 =	vld [tilespmem:s3+$0x60];
	v59 =	vmul.f32 v54, v23;
	v26 =	vmul.f32 v54, v26;
	[tilespmem:s5+$0x4070] =	vst v38  }
0x19c: {  	v23 =	vld [tilespmem:s3+$0x70];
	[tilespmem:s5+$0x4010] =	vst v24;
	v62 =	vmul.f32 v18, v18;
	v24 =	vsub.f32 $1.500000000e+00, v60;
	v29 =	vadd.f32 v61, v29  }
0x19d: {  	v63 =	vmul.f32 v54, v27;
	v27 =	vmul.f32 v54, v28;
	[tilespmem:s5+$0x4000] =	vst v59  }
0x19e: {  	s6 =	simm.s32 $0x200;
	[tilespmem:s5+$0x4020] =	vst v26;
	v28 =	vmul.f32 v19, v19;
	v26 =	vmul.f32 v36, v24;
	v29 =	vadd.f32 v62, v29  }
0x19f: {  	s7 =	simm.s32 $0xA00;
	v31 =	vmul.f32 v54, v30;
	v30 =	vmul.f32 v54, v51;
	v24 =	vld [tilespmem:s6+$0x0];
	[tilespmem:s5+$0x4030] =	vst v63  }
.LBB2_6:
0x1a0: {  	p0 =	sne.s32 s7, $0xFE00;
	v32 =	vld [tilespmem:s6+$0x10];
	v28 =	vadd.f32 v28, v29;
	v36 =	vmul.f32 v21, v21;
	v25 =	vmul.f32 v26, v25;
	[tilespmem:s5+$0x4040] =	vst v27  }
0x1a1: {  	v34 =	vmov v4;
	v4 =	vmov v17;
	v27 =	vmul.f32 v23, v23;
	v33, _, _ =	vpop (xrf2);
	[tilespmem:s5+$0x4050] =	vst v31  }
0x1a2: {  	v29 =	vmovc v5;
	v35 =	vld [tilespmem:s6+$0x20];
	v28 =	vadd.f32 v36, v28;
	v17 =	vmax.f32 v33, $1.000000020e-24;
	v25 =	vmul.f32 v25, v26;
	[tilespmem:s5+$0x4060] =	vst v30;
	s5 =	smov.u32 s31;
	s31 =	smov.u32 s0;
	s0 =	smov.u32 s3  }
0x1a3: {  	v5 =	vmovc v8;
	v8 =	vmovc v18;
	v31 =	vmov v0;
	v0 =	vmov v13;
	s3 =	smov.u32 s6;
	v30 =	vbroadcast v17, $0xF  }
0x1a4: {  	v13 =	vmovc v19;
	v33 =	vmul.f32 v24, v24;
	v17 =	vld [tilespmem:s3+$0x30];
	v27 =	vadd.f32 v27, v28;
	v28 =	vsub.f32 $1.500000000e+00, v25;
	v36 =	vmovc v1  }
0x1a5: {  	v1 =	vmovc v10;
	v10 =	vmovc v21;
	v19 =	vmul.f32 v32, v32;
	v37 =	vshrl.u32 v30, $0x1;
	v25 =	vmul.f32 $5.000000000e-01, v30  }
0x1a6: {  	v21 =	vmovc v2;
	v2 =	vmov v24;
	v18 =	vld [tilespmem:s3+$0x40];
	(xrf2) =	vadd.scan.msk.f32 $0xffff, v27;
	v30 =	vsub.s32 $0x5F3759DF, v37;
	v37 =	vmul.f32 v28, v26  }
0x1a7: {  	v24 =	vadd.f32 v19, v33;
	v26 =	vmul.f32 v35, v35;
	v27 =	vmul.f32 v30, v25  }
0x1a8: {  	v19 =	vld [tilespmem:s3+$0x50];
	v28 =	vmul.f32 v37, v6;
	v33 =	vmul.f32 v37, v22;
	v22 =	vmovc v20;
	v20 =	vmovc v23;
	v6 =	vmov v11  }
0x1a9: {  	v11 =	vmovc v21;
	v23 =	vadd.f32 v26, v24;
	v24 =	vmul.f32 v17, v17;
	v26 =	vmul.f32 v30, v27  }
.Ltmp2:
0x1aa: {  	v38 =	vmul.f32 v37, v14;
	v27 =	vmul.f32 v37, v3;
	v3 =	vmovc v9;
	v9 =	vmov v12;
	v21 =	vld [tilespmem:s3+$0x60];
	[tilespmem:s5+$0x4070] =	vst v33;
	(pc) =	sbr.rel @p0 .LBB2_6-.Ltmp2, $4  }
0x1ab: {  	v12 =	vmovc v32;
	v24 =	vadd.f32 v24, v23;
	v33 =	vmul.f32 v18, v18;
	v23 =	vld [tilespmem:s3+$0x70];
	v26 =	vsub.f32 $1.500000000e+00, v26;
	[tilespmem:s5+$0x4000] =	vst v28  }
0x1ac: {  	v14 =	vmovc v7;
	v7 =	vmov v16;
	v32 =	vmul.f32 v37, v15;
	[tilespmem:s5+$0x4010] =	vst v27;
	v27 =	vmul.f32 v37, v29  }
0x1ad: {  	s6 =	sshra.s32 s7, $0x2;
	v29 =	vadd.f32 v33, v24;
	v28 =	vmul.f32 v19, v19;
	v26 =	vmul.f32 v30, v26;
	[tilespmem:s5+$0x4020] =	vst v38  }
0x1ae: {  	s7 =	sadd.s32 $0x200, s7;
	v31 =	vmul.f32 v37, v31;
	v16 =	vmovc v35;
	v15 =	vmov v34;
	v30 =	vmul.f32 v37, v36;
	v24 =	vld [tilespmem:s6+$0x0];
	[tilespmem:s5+$0x4030] =	vst v32  }
0x1af: {  	v32 =	vld [tilespmem:s6+$0x10];
	[tilespmem:s5+$0x4040] =	vst v27  }
0x1b0: {  	v25 =	vmul.f32 v26, v25;
	[tilespmem:s5+$0x4050] =	vst v31  }
0x1b1: {  	v27 =	vld [tilespmem:s6+$0x20]  }
0x1b2: {  	v25 =	vmul.f32 v25, v26;
	[tilespmem:s5+$0x4060] =	vst v30  }
0x1b3: {  	v30 =	vld [tilespmem:s6+$0x30]  }
0x1b4: {  	v31 =	vmul.f32 v24, v24;
	v25 =	vsub.f32 $1.500000000e+00, v25;
	v33 =	vmul.f32 v32, v32  }
0x1b5: {  	v28 =	vadd.f32 v28, v29;
	v29 =	vmul.f32 v21, v21;
	v34 =	vld [tilespmem:s6+$0x40]  }
0x1b6: {  	v25 =	vmul.f32 v25, v26;
	v26 =	vadd.f32 v33, v31;
	v31 =	vmul.f32 v27, v27  }
0x1b7: {  	v47 =	vmul.f32 v23, v23;
	v28 =	vadd.f32 v29, v28;
	v29 =	vld [tilespmem:s6+$0x50]  }
0x1b8: {  	v22 =	vmul.f32 v25, v22;
	v26 =	vadd.f32 v31, v26;
	v31 =	vmul.f32 v30, v30  }
0x1b9: {  	v35 =	vld [tilespmem:s6+$0x60];
	v28 =	vadd.f32 v47, v28  }
0x1ba: {  	[tilespmem:s31+$0x4070] =	vst v22;
	v22 =	vadd.f32 v31, v26;
	v26 =	vmul.f32 v34, v34  }
0x1bb: {  	v31 =	vld [tilespmem:s6+$0x70]  }
0x1bc: {  	(xrf2) =	vadd.scan.msk.f32 $0xffff, v28;
	v22 =	vadd.f32 v26, v22;
	v26 =	vmul.f32 v29, v29  }
0x1bd: {  	v28, _, _ =	vpop (xrf2)  }
0x1be: {  	v28 =	vmax.f32 v28, $1.000000020e-24;
	v22 =	vadd.f32 v26, v22;
	v26 =	vmul.f32 v35, v35  }
0x1bf: {  	v28 =	vbroadcast v28, $0xF  }
0x1c0: {  	v48 =	vmul.f32 v31, v31;
	v22 =	vadd.f32 v26, v22  }
0x1c1: {  	v26 =	vshrl.u32 v28, $0x1;
	v28 =	vmul.f32 $5.000000000e-01, v28  }
0x1c2: {  	v26 =	vsub.s32 $0x5F3759DF, v26;
	v22 =	vadd.f32 v48, v22  }
0x1c3: {  	v49 =	vmul.f32 v26, v28  }
0x1c4: {  	(xrf2) =	vadd.scan.msk.f32 $0xffff, v22  }
0x1c5: {  	v22 =	vmul.f32 v26, v49  }
0x1c6: {  	v50, _, _ =	vpop (xrf2)  }
0x1c7: {  	v33 =	vmax.f32 v50, $1.000000020e-24;
	v22 =	vsub.f32 $1.500000000e+00, v22  }
0x1c8: {  	v33 =	vbroadcast v33, $0xF  }
0x1c9: {  	v22 =	vmul.f32 v26, v22  }
0x1ca: {  	v26 =	vshrl.u32 v33, $0x1;
	v33 =	vmul.f32 $5.000000000e-01, v33  }
0x1cb: {  	v26 =	vsub.s32 $0x5F3759DF, v26;
	v28 =	vmul.f32 v22, v28  }
0x1cc: {  	v6 =	vmul.f32 v25, v6;
	v36 =	vmul.f32 v26, v33  }
0x1cd: {  	v3 =	vmul.f32 v25, v3;
	v28 =	vmul.f32 v28, v22  }
0x1ce: {  	v14 =	vmul.f32 v25, v14;
	v36 =	vmul.f32 v26, v36;
	v37, _, _ =	vpop (xrf2)  }
0x1cf: {  	[tilespmem:s31+$0x4000] =	vst v6;
	v6 =	vmul.f32 v25, v15;
	v15 =	vsub.f32 $1.500000000e+00, v28;
	v28 =	vmax.f32 v37, $1.000000020e-24  }
0x1d0: {  	[tilespmem:s31+$0x4010] =	vst v3;
	v3 =	vmul.f32 v25, v5;
	v5 =	vsub.f32 $1.500000000e+00, v36;
	v28 =	vbroadcast v28, $0xF  }
0x1d1: {  	v0 =	vmul.f32 v25, v0;
	[tilespmem:s31+$0x4020] =	vst v14;
	v14 =	vmul.f32 v15, v22  }
0x1d2: {  	[tilespmem:s31+$0x4030] =	vst v6;
	v5 =	vmul.f32 v26, v5;
	v6 =	vshrl.u32 v28, $0x1;
	v15 =	vmul.f32 $5.000000000e-01, v28  }
0x1d3: {  	v1 =	vmul.f32 v25, v1;
	[tilespmem:s31+$0x4040] =	vst v3;
	v3 =	vmul.f32 v14, v20;
	v6 =	vsub.s32 $0x5F3759DF, v6  }
0x1d4: {  	[tilespmem:s31+$0x4050] =	vst v0;
	v0 =	vmul.f32 v5, v33;
	v20 =	vmul.f32 v6, v15  }
0x1d5: {  	[tilespmem:s31+$0x4060] =	vst v1;
	v1 =	vmul.f32 v14, v11;
	v9 =	vmul.f32 v14, v9  }
0x1d6: {  	[tilespmem:s0+$0x4070] =	vst v3;
	v0 =	vmul.f32 v0, v5;
	v3 =	vmul.f32 v6, v20  }
0x1d7: {  	v7 =	vmul.f32 v14, v7;
	[tilespmem:s0+$0x4000] =	vst v1  }
0x1d8: {  	[tilespmem:s0+$0x4010] =	vst v9;
	v1 =	vmul.f32 v14, v4;
	v0 =	vsub.f32 $1.500000000e+00, v0;
	v3 =	vsub.f32 $1.500000000e+00, v3  }
0x1d9: {  	v4 =	vmul.f32 v14, v8;
	[tilespmem:s0+$0x4020] =	vst v7;
	v7 =	vmul.f32 v14, v13  }
0x1da: {  	[tilespmem:s0+$0x4030] =	vst v1;
	v0 =	vmul.f32 v0, v5;
	v1 =	vmul.f32 v6, v3  }
0x1db: {  	[tilespmem:s0+$0x4040] =	vst v4;
	v3 =	vmul.f32 v14, v10  }
0x1dc: {  	[tilespmem:s0+$0x4050] =	vst v7;
	v4 =	vmul.f32 v0, v23;
	v5 =	vmul.f32 v1, v15  }
0x1dd: {  	v2 =	vmul.f32 v0, v2;
	[tilespmem:s0+$0x4060] =	vst v3  }
0x1de: {  	v3 =	vmul.f32 v0, v12;
	[tilespmem:s3+$0x4070] =	vst v4;
	v4 =	vmul.f32 v5, v1  }
0x1df: {  	[tilespmem:s3+$0x4000] =	vst v2;
	v2 =	vmul.f32 v0, v17  }
0x1e0: {  	v5 =	vmul.f32 v0, v16;
	[tilespmem:s3+$0x4010] =	vst v3;
	v3 =	vsub.f32 $1.500000000e+00, v4  }
0x1e1: {  	[tilespmem:s3+$0x4030] =	vst v2;
	v2 =	vmul.f32 v0, v19  }
0x1e2: {  	v4 =	vmul.f32 v0, v18;
	[tilespmem:s3+$0x4020] =	vst v5;
	v1 =	vmul.f32 v3, v1  }
0x1e3: {  	v0 =	vmul.f32 v0, v21;
	[tilespmem:s3+$0x4050] =	vst v2  }
0x1e4: {  	[tilespmem:s3+$0x4040] =	vst v4;
	v2 =	vmul.f32 v1, v31  }
0x1e5: {  	[tilespmem:s3+$0x4060] =	vst v0;
	v0 =	vmul.f32 v1, v24  }
0x1e6: {  	v3 =	vmul.f32 v1, v32;
	[tilespmem:s6+$0x4070] =	vst v2  }
0x1e7: {  	v2 =	vmul.f32 v1, v27;
	[tilespmem:s6+$0x4000] =	vst v0  }
0x1e8: {  	[tilespmem:s6+$0x4010] =	vst v3;
	v0 =	vmul.f32 v1, v30  }
0x1e9: {  	v3 =	vmul.f32 v1, v34;
	[tilespmem:s6+$0x4020] =	vst v2  }
0x1ea: {  	[tilespmem:s6+$0x4030] =	vst v0;
	v0 =	vmul.f32 v1, v29  }
0x1eb: {  	v1 =	vmul.f32 v1, v35;
	[tilespmem:s6+$0x4040] =	vst v3  }
0x1ec: {  	[tilespmem:s6+$0x4050] =	vst v0  }
0x1ed: {  	[tilespmem:s6+$0x4060] =	vst v1  }
0x1ee: {  	[spmem:s1] =	stream.indirect.scatter.add.f32 [tilespmem:s26], [sflag:$0x1], $0x80, s24, s25, $0xb8;
	[tilespmem:$0xE480] =	vst v63  }
0x1ef: {  	_ =	swait.ge [sflag:s22], $0x4000  }
0x1f0: {  	[sflag:s22] =	ssyncset.done $0x0  }
0x1f1: {  	[sflag:s22] =	ssyncadd.s32 $0xFFFFC000  }
0x1f2: {  	[spmem:s2] =	stream.indirect.scatter.add.f32 [tilespmem:s23], [sflag:$0x1], $0x10, s24, s25, $0xb8;
	[tilespmem:$0xE480] =	vst v63  }
0x1f3: {  	_ =	swait.ge [sflag:s22], $0x800  }
0x1f4: {  	[sflag:s22] =	ssyncset.done $0x0  }
0x1f5: {  	s7 =	simm.s32 $0x0;
	[sflag:s22] =	ssyncadd.s32 $0xFFFFF800  }
0x1f6: {  	[tilespmem:s7], [sflag:$0x1] =	stream.linear.gather [hbm4b:s17+s7], $0x4000, $0x38;
	[tilespmem:$0xE480] =	vst v63  }
0x1f7: {  	_ =	swait.ge [sflag:s22], $0x4000  }
0x1f8: {  	[sflag:s22] =	ssyncset.done $0x0  }
0x1f9: {  	[sflag:s22] =	ssyncadd.s32 $0xFFFFC000  }
0x1fa: {  	[tilespmem:s24], [sflag:$0x1] =	stream.linear.gather [hbm4b:s18+s7], $0x80, $0x38;
	[tilespmem:$0xE480] =	vst v63  }
0x1fb: {  	_ =	swait.ge [sflag:s22], $0x80  }
0x1fc: {  	[sflag:s22] =	ssyncset.done $0x0  }
0x1fd: {  	s5 =	simm.s32 $0x0;
	[sflag:s22] =	ssyncadd.s32 $0xFFFFFF80  }
0x1fe: {  	v23 =	vld [tilespmem:s5+$0x0]  }
0x1ff: {  	v24 =	vld [tilespmem:s5+$0x10];
	_ =	sdelay $0x1  }
0x200: {  	v26 =	vld [tilespmem:s5+$0x20];
	_ =	sdelay $0x1  }
0x201: {  	v27 =	vld [tilespmem:s5+$0x30]  }
0x202: {  	v0 =	vmul.f32 v23, v23;
	v1 =	vmul.f32 v24, v24  }
0x203: {  	v28 =	vld [tilespmem:s5+$0x40]  }
0x204: {  	v0 =	vadd.f32 v1, v0;
	v1 =	vmul.f32 v26, v26  }
0x205: {  	v30 =	vld [tilespmem:s5+$0x50]  }
0x206: {  	v0 =	vadd.f32 v1, v0;
	v1 =	vmul.f32 v27, v27  }
0x207: {  	v51 =	vld [tilespmem:s5+$0x60]  }
0x208: {  	v0 =	vadd.f32 v1, v0;
	v1 =	vmul.f32 v28, v28  }
0x209: {  	v21 =	vld [tilespmem:s5+$0x70]  }
0x20a: {  	v0 =	vadd.f32 v1, v0;
	v1 =	vmul.f32 v30, v30;
	_ =	sdelay $0x1  }
0x20b: {  	s31 =	simm.s32 $0x80;
	v0 =	vadd.f32 v1, v0;
	v1 =	vmul.f32 v51, v51  }
0x20c: {  	v6 =	vld [tilespmem:s31+$0x0]  }
0x20d: {  	v3 =	vld [tilespmem:s31+$0x10];
	v2 =	vmul.f32 v21, v21;
	v0 =	vadd.f32 v1, v0;
	_ =	sdelay $0x1  }
0x20e: {  	v14 =	vld [tilespmem:s31+$0x20];
	v0 =	vadd.f32 v2, v0;
	_ =	sdelay $0x1  }
0x20f: {  	v15 =	vld [tilespmem:s31+$0x30];
	(xrf2) =	vadd.scan.msk.f32 $0xffff, v0  }
0x210: {  	v1 =	vmul.f32 v3, v3;
	v0 =	vmul.f32 v6, v6  }
0x211: {  	v5 =	vld [tilespmem:s31+$0x40]  }
0x212: {  	v2 =	vmul.f32 v14, v14;
	v1 =	vadd.f32 v1, v0  }
0x213: {  	v0 =	vld [tilespmem:s31+$0x50]  }
0x214: {  	v4 =	vmul.f32 v15, v15;
	v2 =	vadd.f32 v2, v1  }
0x215: {  	v1 =	vld [tilespmem:s31+$0x60]  }
0x216: {  	v2 =	vadd.f32 v4, v2;
	v4 =	vmul.f32 v5, v5  }
0x217: {  	v22 =	vld [tilespmem:s31+$0x70]  }
0x218: {  	v2 =	vadd.f32 v4, v2;
	v4 =	vmul.f32 v0, v0  }
0x219: {  	v7, _, _ =	vpop (xrf2)  }
0x21a: {  	v2 =	vadd.f32 v4, v2;
	v4 =	vmul.f32 v1, v1;
	v7 =	vmax.f32 v7, $1.000000020e-24  }
0x21b: {  	v7 =	vbroadcast v7, $0xF  }
0x21c: {  	v8 =	vmul.f32 v22, v22;
	v2 =	vadd.f32 v4, v2  }
0x21d: {  	s0 =	simm.s32 $0x100;
	v4 =	vshrl.u32 v7, $0x1;
	v10 =	vmul.f32 $5.000000000e-01, v7  }
0x21e: {  	v11 =	vld [tilespmem:s0+$0x0];
	v2 =	vadd.f32 v8, v2;
	v8 =	vsub.s32 $0x5F3759DF, v4  }
0x21f: {  	v9 =	vld [tilespmem:s0+$0x10];
	v4 =	vmul.f32 v8, v10;
	_ =	sdelay $0x1  }
0x220: {  	v7 =	vld [tilespmem:s0+$0x20];
	(xrf2) =	vadd.scan.msk.f32 $0xffff, v2;
	v2 =	vmul.f32 v8, v4;
	_ =	sdelay $0x1  }
0x221: {  	v4 =	vld [tilespmem:s0+$0x30];
	v2 =	vsub.f32 $1.500000000e+00, v2  }
0x222: {  	v12 =	vmul.f32 v11, v11;
	v13 =	vmul.f32 v9, v9  }
0x223: {  	v18 =	vmul.f32 v8, v2;
	v8 =	vld [tilespmem:s0+$0x40]  }
0x224: {  	v2 =	vadd.f32 v13, v12;
	v12 =	vmul.f32 v7, v7  }
0x225: {  	v13 =	vld [tilespmem:s0+$0x50]  }
0x226: {  	v17 =	vmul.f32 v4, v4;
	v12 =	vadd.f32 v12, v2  }
0x227: {  	v16 =	vmul.f32 v18, v10;
	v10 =	vld [tilespmem:s0+$0x60]  }
0x228: {  	v20 =	vld [tilespmem:s0+$0x70];
	v17 =	vadd.f32 v17, v12;
	v25 =	vmul.f32 v8, v8;
	_ =	sdelay $0x1  }
0x229: {  	s3 =	simm.s32 $0x180;
	v31 =	vmul.f32 v13, v13;
	v52 =	vadd.f32 v25, v17  }
0x22a: {  	v2 =	vld [tilespmem:s3+$0x0]  }
0x22b: {  	v16 =	vmul.f32 v16, v18;
	v12 =	vld [tilespmem:s3+$0x10];
	v53 =	vmul.f32 v10, v10;
	v31 =	vadd.f32 v31, v52  }
0x22c: {  	v57 =	vmul.f32 v20, v20;
	v19, _, _ =	vpop (xrf2)  }
0x22d: {  	v19 =	vmax.f32 v19, $1.000000020e-24;
	v29 =	vsub.f32 $1.500000000e+00, v16;
	v16 =	vld [tilespmem:s3+$0x20];
	v31 =	vadd.f32 v53, v31  }
0x22e: {  	v19 =	vbroadcast v19, $0xF  }
0x22f: {  	v17 =	vld [tilespmem:s3+$0x30];
	v54 =	vmul.f32 v29, v18;
	v29 =	vmul.f32 v2, v2;
	v31 =	vadd.f32 v57, v31  }
0x230: {  	v55 =	vshrl.u32 v19, $0x1;
	v25 =	vmul.f32 $5.000000000e-01, v19;
	v56 =	vmul.f32 v12, v12  }
0x231: {  	v18 =	vld [tilespmem:s3+$0x40];
	v36 =	vsub.s32 $0x5F3759DF, v55;
	(xrf2) =	vadd.scan.msk.f32 $0xffff, v31  }
0x232: {  	v39 =	vmul.f32 v36, v25;
	v29 =	vadd.f32 v56, v29;
	v58 =	vmul.f32 v16, v16  }
0x233: {  	v19 =	vld [tilespmem:s3+$0x50];
	v38 =	vmul.f32 v54, v21;
	v24 =	vmul.f32 v54, v24  }
0x234: {  	v60 =	vmul.f32 v36, v39;
	v61 =	vmul.f32 v17, v17;
	v29 =	vadd.f32 v58, v29  }
0x235: {  	v21 =	vld [tilespmem:s3+$0x60];
	v59 =	vmul.f32 v54, v23;
	v26 =	vmul.f32 v54, v26;
	[tilespmem:s5+$0x4070] =	vst v38  }
0x236: {  	v23 =	vld [tilespmem:s3+$0x70];
	[tilespmem:s5+$0x4010] =	vst v24;
	v62 =	vmul.f32 v18, v18;
	v24 =	vsub.f32 $1.500000000e+00, v60;
	v29 =	vadd.f32 v61, v29  }
0x237: {  	v63 =	vmul.f32 v54, v27;
	v27 =	vmul.f32 v54, v28;
	[tilespmem:s5+$0x4000] =	vst v59  }
0x238: {  	s6 =	simm.s32 $0x200;
	[tilespmem:s5+$0x4020] =	vst v26;
	v28 =	vmul.f32 v19, v19;
	v26 =	vmul.f32 v36, v24;
	v29 =	vadd.f32 v62, v29  }
0x239: {  	s7 =	simm.s32 $0xA00;
	v31 =	vmul.f32 v54, v30;
	v30 =	vmul.f32 v54, v51;
	v24 =	vld [tilespmem:s6+$0x0];
	[tilespmem:s5+$0x4030] =	vst v63  }
.LBB2_8:
0x23a: {  	p0 =	sne.s32 s7, $0xFE00;
	v32 =	vld [tilespmem:s6+$0x10];
	v28 =	vadd.f32 v28, v29;
	v36 =	vmul.f32 v21, v21;
	v25 =	vmul.f32 v26, v25;
	[tilespmem:s5+$0x4040] =	vst v27  }
0x23b: {  	v34 =	vmov v4;
	v4 =	vmov v17;
	v27 =	vmul.f32 v23, v23;
	v33, _, _ =	vpop (xrf2);
	[tilespmem:s5+$0x4050] =	vst v31  }
0x23c: {  	v29 =	vmovc v5;
	v35 =	vld [tilespmem:s6+$0x20];
	v28 =	vadd.f32 v36, v28;
	v17 =	vmax.f32 v33, $1.000000020e-24;
	v25 =	vmul.f32 v25, v26;
	[tilespmem:s5+$0x4060] =	vst v30;
	s5 =	smov.u32 s31;
	s31 =	smov.u32 s0;
	s0 =	smov.u32 s3  }
0x23d: {  	v5 =	vmovc v8;
	v8 =	vmovc v18;
	v31 =	vmov v0;
	v0 =	vmov v13;
	s3 =	smov.u32 s6;
	v30 =	vbroadcast v17, $0xF  }
0x23e: {  	v13 =	vmovc v19;
	v33 =	vmul.f32 v24, v24;
	v17 =	vld [tilespmem:s3+$0x30];
	v27 =	vadd.f32 v27, v28;
	v28 =	vsub.f32 $1.500000000e+00, v25;
	v36 =	vmovc v1  }
0x23f: {  	v1 =	vmovc v10;
	v10 =	vmovc v21;
	v19 =	vmul.f32 v32, v32;
	v37 =	vshrl.u32 v30, $0x1;
	v25 =	vmul.f32 $5.000000000e-01, v30  }
0x240: {  	v21 =	vmovc v2;
	v2 =	vmov v24;
	v18 =	vld [tilespmem:s3+$0x40];
	(xrf2) =	vadd.scan.msk.f32 $0xffff, v27;
	v30 =	vsub.s32 $0x5F3759DF, v37;
	v37 =	vmul.f32 v28, v26  }
0x241: {  	v24 =	vadd.f32 v19, v33;
	v26 =	vmul.f32 v35, v35;
	v27 =	vmul.f32 v30, v25  }
0x242: {  	v19 =	vld [tilespmem:s3+$0x50];
	v28 =	vmul.f32 v37, v6;
	v33 =	vmul.f32 v37, v22;
	v22 =	vmovc v20;
	v20 =	vmovc v23;
	v6 =	vmov v11  }
0x243: {  	v11 =	vmovc v21;
	v23 =	vadd.f32 v26, v24;
	v24 =	vmul.f32 v17, v17;
	v26 =	vmul.f32 v30, v27  }
.Ltmp3:
0x244: {  	v38 =	vmul.f32 v37, v14;
	v27 =	vmul.f32 v37, v3;
	v3 =	vmovc v9;
	v9 =	vmov v12;
	v21 =	vld [tilespmem:s3+$0x60];
	[tilespmem:s5+$0x4070] =	vst v33;
	(pc) =	sbr.rel @p0 .LBB2_8-.Ltmp3, $4  }
0x245: {  	v12 =	vmovc v32;
	v24 =	vadd.f32 v24, v23;
	v33 =	vmul.f32 v18, v18;
	v23 =	vld [tilespmem:s3+$0x70];
	v26 =	vsub.f32 $1.500000000e+00, v26;
	[tilespmem:s5+$0x4000] =	vst v28  }
0x246: {  	v14 =	vmovc v7;
	v7 =	vmov v16;
	v32 =	vmul.f32 v37, v15;
	[tilespmem:s5+$0x4010] =	vst v27;
	v27 =	vmul.f32 v37, v29  }
0x247: {  	s6 =	sshra.s32 s7, $0x2;
	v29 =	vadd.f32 v33, v24;
	v28 =	vmul.f32 v19, v19;
	v26 =	vmul.f32 v30, v26;
	[tilespmem:s5+$0x4020] =	vst v38  }
0x248: {  	s7 =	sadd.s32 $0x200, s7;
	v31 =	vmul.f32 v37, v31;
	v16 =	vmovc v35;
	v15 =	vmov v34;
	v30 =	vmul.f32 v37, v36;
	v24 =	vld [tilespmem:s6+$0x0];
	[tilespmem:s5+$0x4030] =	vst v32  }
0x249: {  	v32 =	vld [tilespmem:s6+$0x10];
	[tilespmem:s5+$0x4040] =	vst v27  }
0x24a: {  	v25 =	vmul.f32 v26, v25;
	[tilespmem:s5+$0x4050] =	vst v31  }
0x24b: {  	v27 =	vld [tilespmem:s6+$0x20]  }
0x24c: {  	v25 =	vmul.f32 v25, v26;
	[tilespmem:s5+$0x4060] =	vst v30  }
0x24d: {  	v30 =	vld [tilespmem:s6+$0x30]  }
0x24e: {  	v42 =	vmul.f32 v24, v24;
	v25 =	vsub.f32 $1.500000000e+00, v25;
	v33 =	vmul.f32 v32, v32  }
0x24f: {  	v28 =	vadd.f32 v28, v29;
	v43 =	vmul.f32 v21, v21;
	v34 =	vld [tilespmem:s6+$0x40]  }
0x250: {  	v25 =	vmul.f32 v25, v26;
	v44 =	vadd.f32 v33, v42;
	v45 =	vmul.f32 v27, v27  }
0x251: {  	v46 =	vmul.f32 v23, v23;
	v28 =	vadd.f32 v43, v28;
	v29 =	vld [tilespmem:s6+$0x50]  }
0x252: {  	v22 =	vmul.f32 v25, v22;
	v47 =	vmul.f32 v30, v30;
	v26 =	vadd.f32 v45, v44  }
0x253: {  	v35 =	vld [tilespmem:s6+$0x60];
	v28 =	vadd.f32 v46, v28  }
0x254: {  	v49 =	vmul.f32 v34, v34;
	[tilespmem:s31+$0x4070] =	vst v22;
	v48 =	vadd.f32 v47, v26  }
0x255: {  	(xrf2) =	vadd.scan.msk.f32 $0xffff, v28;
	v31 =	vld [tilespmem:s6+$0x70]  }
0x256: {  	v50 =	vmul.f32 v29, v29;
	v22 =	vadd.f32 v49, v48;
	_ =	sdelay $0x1  }
0x257: {  	v51, _, _ =	vpop (xrf2);
	v52 =	vmul.f32 v35, v35;
	v22 =	vadd.f32 v50, v22  }
0x258: {  	v28 =	vmax.f32 v51, $1.000000020e-24  }
0x259: {  	v28 =	vbroadcast v28, $0xF;
	v53 =	vmul.f32 v31, v31;
	v22 =	vadd.f32 v52, v22;
	_ =	sdelay $0x1  }
0x25a: {  	v54 =	vshrl.u32 v28, $0x1;
	v28 =	vmul.f32 $5.000000000e-01, v28;
	v22 =	vadd.f32 v53, v22  }
0x25b: {  	v26 =	vsub.s32 $0x5F3759DF, v54  }
0x25c: {  	v55 =	vmul.f32 v26, v28;
	(xrf2) =	vadd.scan.msk.f32 $0xffff, v22  }
0x25d: {  	v57, _, _ =	vpop (xrf2)  }
0x25e: {  	v56 =	vmul.f32 v26, v55;
	v33 =	vmax.f32 v57, $1.000000020e-24  }
0x25f: {  	v33 =	vbroadcast v33, $0xF  }
0x260: {  	v22 =	vsub.f32 $1.500000000e+00, v56  }
0x261: {  	v58 =	vshrl.u32 v33, $0x1;
	v33 =	vmul.f32 $5.000000000e-01, v33  }
0x262: {  	v22 =	vmul.f32 v26, v22;
	v26 =	vsub.s32 $0x5F3759DF, v58  }
0x263: {  	v36 =	vmul.f32 v26, v33  }
0x264: {  	v6 =	vmul.f32 v25, v6;
	v28 =	vmul.f32 v22, v28  }
0x265: {  	v3 =	vmul.f32 v25, v3;
	v36 =	vmul.f32 v26, v36  }
0x266: {  	v14 =	vmul.f32 v25, v14;
	v28 =	vmul.f32 v28, v22;
	v37, _, _ =	vpop (xrf2)  }
0x267: {  	v59 =	vmul.f32 v25, v15;
	[tilespmem:s31+$0x4000] =	vst v6;
	v63 =	vsub.f32 $1.500000000e+00, v36;
	v61 =	vmax.f32 v37, $1.000000020e-24  }
0x268: {  	v62 =	vmul.f32 v25, v5;
	[tilespmem:s31+$0x4010] =	vst v3;
	v60 =	vsub.f32 $1.500000000e+00, v28;
	v28 =	vbroadcast v61, $0xF  }
0x269: {  	v0 =	vmul.f32 v25, v0;
	[tilespmem:s31+$0x4020] =	vst v14;
	v5 =	vmul.f32 v26, v63  }
0x26a: {  	[tilespmem:s31+$0x4030] =	vst v59;
	v36 =	vmul.f32 v60, v22;
	v37 =	vshrl.u32 v28, $0x1;
	v38 =	vmul.f32 $5.000000000e-01, v28  }
0x26b: {  	v1 =	vmul.f32 v25, v1;
	[tilespmem:s31+$0x4040] =	vst v62;
	v40 =	vmul.f32 v5, v33;
	v6 =	vsub.s32 $0x5F3759DF, v37  }
0x26c: {  	[tilespmem:s31+$0x4050] =	vst v0;
	v39 =	vmul.f32 v36, v20;
	v41 =	vmul.f32 v6, v38  }
0x26d: {  	[tilespmem:s31+$0x4060] =	vst v1;
	v42 =	vmul.f32 v36, v11;
	v9 =	vmul.f32 v36, v9  }
0x26e: {  	v0 =	vmul.f32 v40, v5;
	[tilespmem:s0+$0x4070] =	vst v39;
	v43 =	vmul.f32 v6, v41  }
0x26f: {  	v7 =	vmul.f32 v36, v7;
	[tilespmem:s0+$0x4000] =	vst v42  }
0x270: {  	v44 =	vmul.f32 v36, v4;
	[tilespmem:s0+$0x4010] =	vst v9;
	v0 =	vsub.f32 $1.500000000e+00, v0;
	v3 =	vsub.f32 $1.500000000e+00, v43  }
0x271: {  	v45 =	vmul.f32 v36, v8;
	v46 =	vmul.f32 v36, v13;
	[tilespmem:s0+$0x4020] =	vst v7  }
0x272: {  	[tilespmem:s0+$0x4030] =	vst v44;
	v0 =	vmul.f32 v0, v5;
	v47 =	vmul.f32 v6, v3  }
0x273: {  	v48 =	vmul.f32 v36, v10;
	[tilespmem:s0+$0x4040] =	vst v45  }
0x274: {  	[tilespmem:s0+$0x4050] =	vst v46;
	v49 =	vmul.f32 v0, v23;
	v50 =	vmul.f32 v47, v38  }
0x275: {  	[tilespmem:s0+$0x4060] =	vst v48;
	v2 =	vmul.f32 v0, v2  }
0x276: {  	v51 =	vmul.f32 v0, v12;
	[tilespmem:s3+$0x4070] =	vst v49;
	v52 =	vmul.f32 v50, v47  }
0x277: {  	v53 =	vmul.f32 v0, v16;
	[tilespmem:s3+$0x4000] =	vst v2  }
0x278: {  	v54 =	vmul.f32 v0, v17;
	[tilespmem:s3+$0x4010] =	vst v51;
	v55 =	vsub.f32 $1.500000000e+00, v52  }
0x279: {  	v56 =	vmul.f32 v0, v18;
	[tilespmem:s3+$0x4020] =	vst v53  }
0x27a: {  	v57 =	vmul.f32 v0, v19;
	[tilespmem:s3+$0x4030] =	vst v54;
	v1 =	vmul.f32 v55, v47  }
0x27b: {  	v0 =	vmul.f32 v0, v21;
	[tilespmem:s3+$0x4040] =	vst v56  }
0x27c: {  	[tilespmem:s3+$0x4050] =	vst v57;
	v58 =	vmul.f32 v1, v31  }
0x27d: {  	[tilespmem:s3+$0x4060] =	vst v0;
	v59 =	vmul.f32 v1, v24  }
0x27e: {  	v3 =	vmul.f32 v1, v32;
	[tilespmem:s6+$0x4070] =	vst v58  }
0x27f: {  	v60 =	vmul.f32 v1, v27;
	[tilespmem:s6+$0x4000] =	vst v59  }
0x280: {  	v61 =	vmul.f32 v1, v30;
	[tilespmem:s6+$0x4010] =	vst v3  }
0x281: {  	v62 =	vmul.f32 v1, v34;
	[tilespmem:s6+$0x4020] =	vst v60  }
0x282: {  	v63 =	vmul.f32 v1, v29;
	[tilespmem:s6+$0x4030] =	vst v61  }
0x283: {  	v1 =	vmul.f32 v1, v35;
	[tilespmem:s6+$0x4040] =	vst v62  }
0x284: {  	[tilespmem:s6+$0x4050] =	vst v63  }
0x285: {  	[tilespmem:s6+$0x4060] =	vst v1  }
0x286: {  	[spmem:s1] =	stream.indirect.scatter.add.f32 [tilespmem:s26], [sflag:$0x1], $0x80, s24, s25, $0xb8;
	[tilespmem:$0xE480] =	vst v63  }
0x287: {  	_ =	swait.ge [sflag:s22], $0x4000  }
0x288: {  	[sflag:s22] =	ssyncset.done $0x0  }
0x289: {  	[sflag:s22] =	ssyncadd.s32 $0xFFFFC000  }
0x28a: {  	[spmem:s2] =	stream.indirect.scatter.add.f32 [tilespmem:s23], [sflag:$0x1], $0x10, s24, s25, $0xb8;
	[tilespmem:$0xE480] =	vst v63  }
0x28b: {  	_ =	swait.ge [sflag:s22], $0x800  }
0x28c: {  	[sflag:s22] =	ssyncset.done $0x0  }
0x28d: {  	[sflag:s22] =	ssyncadd.s32 $0xFFFFF800  }
0x28e: {  	[bflag:$0x0] =	sbarrier.arrive $0xFFFF  }
0x28f: {  	[hbm:s19], [sflag:s8] =	dma.local [spmem:s29], $0x400  }
0x290: {  	s28 =	sadd.s32 $0x1, s28;
	_ =	swait.ge [sflag:s22], $0x400  }
0x291: {  	p0 =	sne.s32 s28, s21;
	[sflag:s22] =	ssyncset.done $0x0  }
.Ltmp4:
0x292: {  	[sflag:s22] =	ssyncadd.s32 $0xFFFFFC00;
	(pc) =	sbr.rel @p0 .LBB2_1-.Ltmp4, $4  }
0x293: {  	[hbm:s20], [sflag:s8] =	dma.local [spmem:s30], $0x400  }
0x294: {  	_ =	swait.ge [sflag:s22], $0x400  }
0x295: {  	[sflag:s22] =	ssyncset.done $0x0  }
0x296: {  	[sflag:s22] =	ssyncadd.s32 $0xFFFFFC00  }
0x297: {  	_ =	sfence.sel $0x180000  }
0x298: {  	[bflag:$0x0] =	sbarrier.arrive $0xFFFF  }
0x299: {  	_ =	strace $0x90000047  }
0x29a: {  	s0 =	stileid.u32;
	[bflag:$0x2] =	sbarrier.arrive $0xFFFF  }
0x29b: {  	p0 =	sne.s32 s0, $0x0;
	s0 =	rddreg [dreg:$0x6]  }
0x29c: {  	s0 =	sadd.s32 @!p0 $0x100000, s0  }
0x29d: {  	[sflag:s0] =	ssyncadd.tile.s32 @!p0 $0x1;
	_ =	shalt  }
.Lfunc_end2:
_tile_overlayer_lowered:
.L_overlay_start_2:
0x29e: {  	(tag) =	ssettag $0x2  }
0x29f: {  	s0 =	rddreg [dreg:$0x0];
	s2 =	stileid.u32  }
0x2a0: {  	s1 =	rddreg [dreg:$0x1];
	p0 =	sne.s32 s2, $0x0  }
0x2a1: {  	s3 =	rddreg [dreg:$0x2];
	[bflag:$0x3] =	sbarrier.arrive $0xFFFF;
	s2 =	simm.s32 @!p0 $0x1C01  }
0x2a2: {  	[timem:s3], [sflag:s2] =	dma.local @!p0 [hbm:s0], s1  }
0x2a3: {  	s0 =	simm.s32 @!p0 $0x1  }
0x2a4: {  	_ =	swait.ge @!p0 [sflag:s0], s1  }
0x2a5: {  	s1 =	ssub.s32 @!p0 $0x0, s1;
	[sflag:s0] =	ssyncset.done @!p0 $0x0  }
0x2a6: {  	[sflag:s0] =	ssyncadd.s32 @!p0 s1  }
0x2a7: {  	[bflag:$0x3] =	sbarrier.arrive $0xFFFF  }
0x2a8: {  	_ =	shalt  }

</sc_bundles>
